<compile_context>
chip_gen: v7x
topology: tpu7x:2x2x1
jax: 0.10.2.dev20260603
libtpu: 0.0.44.dev20260713+nightly
codegen_flags: <defaults>
</compile_context>

<pallas_src>
import functools
import math

import jax
import jax.numpy as jnp
import numpy as np
from jax.experimental import pallas as pl
from jax.experimental.pallas import tpu as pltpu

B, A, NBH = 4, 64, 48
CUTOFF = 10.0
N_GAUSS = 50
NF = 128
NCB = 32
DIRS = 4
LMAX = 4
N_SCHNET = 2
N_DIR = 2 * LMAX
NLAYER = 1 + N_DIR
RWS = A * NBH
MAX_Z = 100

_OFFS = np.linspace(0.0, CUTOFF, N_GAUSS).astype(np.float32)
_GCOEF = np.float32(-0.5 / (_OFFS[1] - _OFFS[0]) ** 2)
_LN2 = np.float32(math.log(2.0))

_R4 = np.kron(np.eye(NCB, dtype=np.float32), np.ones((1, 4), np.float32))
_R3 = np.kron(np.eye(NCB, dtype=np.float32), np.ones((1, 3), np.float32))
_T3 = np.zeros((8, 3 * NCB), np.float32)
for _d in range(3):
    _T3[_d, _d::3] = 1.0

_PREC = jax.lax.Precision.DEFAULT
_BF = jnp.bfloat16


def _mm(a, b, prec=_PREC):
    return jax.lax.dot_general(
        a, b, (((a.ndim - 1,), (0,)), ((), ())),
        precision=prec, preferred_element_type=jnp.float32)


def _b(x):
    return x.astype(_BF)


_INV_LN2 = float(1.0 / math.log(2.0))
_LN2F = float(math.log(2.0))


def _hlog(z):
    nz = -z
    t = jnp.exp2(jnp.minimum(z, nz))
    return jnp.maximum(nz, 0.0) + jnp.log2(1.0 + t)


def _body(names, *refs):
    r = dict(zip(names, refs))
    i = pl.program_id(1)

    def w(name, squeeze=False):
        ref = r[name]
        return ref[0] if squeeze else ref[...]

    oh_s = r['oh_s']
    geo_s = r['geo_s']
    g_s = r['g_s']
    x_s = r['x_s']
    p_s = r['p_s']

    def filters(f1w, f1b, f2w, f2b, g, cut):
        W = _mm(_b(_hlog(_mm(g, f1w) + f1b)), f2w) + f2b
        return W * cut

    def add_per_atom(v, y):
        f = v.shape[-1]
        return (v.reshape(A, NBH, f) + y[:, None, :]).reshape(RWS, f)

    def mul_per_atom(v, y):
        f = v.shape[-1]
        return (v.reshape(A, NBH, f) * y[:, None, :]).reshape(RWS, f)

    def nsum(v):
        return jnp.sum(v.reshape(A, NBH, v.shape[-1]), axis=1)

    def ft_and_heads(x, oh, g, cut, p1w, p1b, p2w, p2b, inw, ftw, ftb,
                     a1w, a1b, a2w, a2b, e1w, e1b, e2w, e2b,
                     fw1, fb1, fw2, fb2):
        W = filters(fw1, fb1, fw2, fb2, g, cut)
        y = _mm(_b(x), inw)
        v = _hlog(_mm(_b(mul_per_atom(_mm(oh, _b(y)), y) * W), ftw) + ftb)
        vb = _b(v)
        vi = _mm(_b(_hlog(_mm(_b(nsum(v)), a1w) + a1b)), a2w) + a2b
        vij = _mm(_b(_hlog(_mm(vb, p1w) + p1b)), p2w) + p2b
        vik = _mm(_b(_hlog(_mm(vb, e1w) + e1b)), e2w) + e2b
        return vi, vij, vik

    @pl.when(i == 0)
    def _prologue():
        az = r['az'][0, 0]
        zidx = jax.lax.broadcasted_iota(jnp.int32, (A, MAX_Z), 1)
        ohz = (az[:, None] == zidx).astype(jnp.float32)
        x0 = _mm(ohz, w('emb'), jax.lax.Precision.HIGHEST)
        r['x0_o'][0] = x0

        nb = r['nbr'][0]
        jidx = jax.lax.broadcasted_iota(jnp.int32, (A, NBH, A), 2)
        ohf = (nb[:, :, None] == jidx).astype(jnp.float32).reshape(RWS, A)
        oh = ohf.astype(_BF)
        oh_s[...] = oh

        pos = r['pos'][0]
        pos_j = _mm(ohf, pos)
        d = (pos_j.reshape(A, NBH, 3) - pos[:, None, :]).reshape(RWS, 3)
        s = jnp.sum(d * d, axis=1, keepdims=True)
        rij = jnp.sqrt(jnp.where(s > 0, s, 1.0)) * (s > 0).astype(jnp.float32)
        cos = d / jnp.where(rij > 0, rij, 1.0)
        cut = (rij <= CUTOFF).astype(jnp.float32)
        geo_s[...] = jnp.concatenate(
            [cos, cut, jnp.zeros((RWS, 4), jnp.float32)], axis=1).astype(_BF)
        g = jnp.exp(_GCOEF * (rij - w('offs')) ** 2).astype(_BF)
        g_s[...] = g

        x = x0
        for k in range(N_SCHNET):
            W = filters(w('s_f1w')[k], w('s_f1b')[k], w('s_f2w')[k],
                        w('s_f2b')[k], g, cut)
            y_j = _mm(oh, _b(_mm(_b(x), w('s_inw')[k])))
            ysum = nsum(y_j * W)
            y2 = _hlog(_mm(_b(ysum), w('s_ow')[k]) + w('s_ob')[k])
            x = x + _mm(_b(y2), w('s_dw')[k]) + w('s_db')[k]

        vi, vij, vik = ft_and_heads(
            x, oh, g, cut,
            w('f_p1w'), w('f_p1b'), w('f_p2w'), w('f_p2b'),
            w('f_inw'), w('f_ftw'), w('f_ftb'),
            w('f_a1w'), w('f_a1b'), w('f_a2w'), w('f_a2b'),
            w('f_e1w'), w('f_e1b'), w('f_e2w'), w('f_e2b'),
            w('f_f1w'), w('f_f1b'), w('f_f2w'), w('f_f2b'))
        vik32 = nsum(vik)
        v32 = add_per_atom(vij + _mm(oh, _b(vik32)), vik32)
        P = _mm(_b(v32), w('r4c'))
        p_s[...] = P
        r['xij_o'][0, 0] = P.reshape(A, NBH, NF)
        x_s[...] = x + vi

    @pl.when(i > 0)
    def _direction_layer():
        oh = oh_s[...]
        geo = geo_s[...]
        g = g_s[...]
        cut = geo[:, 3:4].astype(jnp.float32)
        x = x_s[...]

        vi, vij, vik = ft_and_heads(
            x, oh, g, cut,
            w('i_p1w', True), w('i_p1b', True), w('i_p2w', True),
            w('i_p2b', True), w('i_inw', True), w('i_ftw', True),
            w('i_ftb', True), w('i_a1w', True), w('i_a1b', True),
            w('i_a2w', True), w('i_a2b', True), w('i_e1w', True),
            w('i_e1b', True), w('i_e2w', True), w('i_e2b', True),
            w('i_f1w', True), w('i_f1b', True), w('i_f2w', True),
            w('i_f2b', True))

        cosx96 = _mm(geo, w('t3c'))
        vik96 = vik * cosx96
        Vik96 = _b(nsum(vik96))
        Vjl = _mm(oh, _b(_mm(Vik96, w('i_g2', True))))
        Vik = _mm(Vik96, w('i_g1', True))
        cmx = _mm(geo, w('i_pmt', True))
        V = add_per_atom(vij * cmx + Vjl
                         + w('i_vb', True), Vik)
        P = p_s[...] * V
        p_s[...] = P
        r['xij_o'][0, 0] = P.reshape(A, NBH, NF)
        x_s[...] = x + vi

    @pl.when(i == NLAYER - 1)
    def _epilogue():
        r['xi_o'][0] = x_s[...]


def kernel(atomic_numbers, positions, cell, cell_offset, neighbors,
           neighbor_mask, params):
    del cell, cell_offset, neighbor_mask
    sch = params['schnet']
    fst = params['first']
    itr = params['inter']
    eye32 = np.eye(NCB, dtype=np.float32)

    def st(ps, lin, key):
        return jnp.stack([p[lin][key] for p in ps])

    arrs = {
        'az': atomic_numbers.astype(jnp.int32).reshape(B, 1, A),
        'pos': positions,
        'nbr': neighbors.astype(jnp.int32),
        'emb': params['emb'],
        'offs': jnp.asarray(_OFFS).reshape(1, N_GAUSS),
        'r4c': jnp.asarray(_R4),
        't3c': jnp.asarray(_T3),
        's_f1w': st(sch, 'filt1', 'w'), 's_f1b': st(sch, 'filt1', 'b'),
        's_f2w': st(sch, 'filt2', 'w'), 's_f2b': st(sch, 'filt2', 'b'),
        's_inw': st(sch, 'in2f', 'w'),
        's_ow': st(sch, 'f2out', 'w'), 's_ob': st(sch, 'f2out', 'b'),
        's_dw': st(sch, 'dense', 'w'), 's_db': st(sch, 'dense', 'b'),
        'f_f1w': fst['filt1']['w'], 'f_f1b': fst['filt1']['b'],
        'f_f2w': fst['filt2']['w'], 'f_f2b': fst['filt2']['b'],
        'f_inw': fst['ft_in2f']['w'],
        'f_ftw': fst['ft_f2out']['w'], 'f_ftb': fst['ft_f2out']['b'],
        'f_a1w': fst['atom1']['w'], 'f_a1b': fst['atom1']['b'],
        'f_a2w': fst['atom2']['w'], 'f_a2b': fst['atom2']['b'],
        'f_p1w': fst['pair1']['w'], 'f_p1b': fst['pair1']['b'],
        'f_p2w': fst['pair2']['w'], 'f_p2b': fst['pair2']['b'],
        'f_e1w': fst['env1']['w'], 'f_e1b': fst['env1']['b'],
        'f_e2w': fst['env2']['w'], 'f_e2b': fst['env2']['b'],
        'i_f1w': st(itr, 'filt1', 'w'), 'i_f1b': st(itr, 'filt1', 'b'),
        'i_f2w': st(itr, 'filt2', 'w'), 'i_f2b': st(itr, 'filt2', 'b'),
        'i_inw': st(itr, 'ft_in2f', 'w'),
        'i_ftw': st(itr, 'ft_f2out', 'w'), 'i_ftb': st(itr, 'ft_f2out', 'b'),
        'i_a1w': st(itr, 'atom1', 'w'), 'i_a1b': st(itr, 'atom1', 'b'),
        'i_a2w': st(itr, 'atom2', 'w'), 'i_a2b': st(itr, 'atom2', 'b'),
        'i_p1w': st(itr, 'pair1', 'w'), 'i_p1b': st(itr, 'pair1', 'b'),
        'i_p2w': st(itr, 'pair2', 'w'), 'i_p2b': st(itr, 'pair2', 'b'),
        'i_e1w': st(itr, 'env1', 'w'), 'i_e1b': st(itr, 'env1', 'b'),
        'i_e2w': st(itr, 'env2', 'w'), 'i_e2b': st(itr, 'env2', 'b'),
        'i_pmt': jnp.pad(
            jnp.tile(st(itr, 'pair_mult', 'w'), (1, 1, NCB)),
            ((0, 0), (0, 5), (0, 0))),
        'i_g1': jnp.stack([jnp.kron(eye32, p['env_mult1']['w'])
                           for p in itr]),
        'i_g2': jnp.stack([jnp.kron(eye32, p['env_mult2']['w'])
                           for p in itr]),
        'i_vb': jnp.stack([jnp.tile(p['pair_mult']['b'], NCB)
                           + jnp.tile(p['env_mult1']['b'], NCB)
                           + jnp.tile(p['env_mult2']['b'], NCB)
                           for p in itr]).reshape(N_DIR, 1, NF),
    }

    def _fold(pw, pb, consumers):
        for cw, cb, mult in consumers:
            Wc = arrs[cw]
            arrs[cb] = arrs[cb] - (mult * _LN2) * Wc.sum(axis=-2)
            arrs[cw] = Wc * _LN2
        arrs[pw] = arrs[pw] * np.float32(-_INV_LN2)
        arrs[pb] = arrs[pb] * np.float32(-_INV_LN2)

    _fold('s_f1w', 's_f1b', [('s_f2w', 's_f2b', 1.0)])
    _fold('s_ow', 's_ob', [('s_dw', 's_db', 1.0)])
    for p in ('f_', 'i_'):
        _fold(p + 'f1w', p + 'f1b', [(p + 'f2w', p + 'f2b', 1.0)])
        _fold(p + 'ftw', p + 'ftb', [(p + 'p1w', p + 'p1b', 1.0),
                                     (p + 'e1w', p + 'e1b', 1.0),
                                     (p + 'a1w', p + 'a1b', float(NBH))])
        _fold(p + 'a1w', p + 'a1b', [(p + 'a2w', p + 'a2b', 1.0)])
        _fold(p + 'p1w', p + 'p1b', [(p + 'p2w', p + 'p2b', 1.0)])
        _fold(p + 'e1w', p + 'e1b', [(p + 'e2w', p + 'e2b', 1.0)])

    r4 = jnp.asarray(_R4)
    r3 = jnp.asarray(_R3)
    arrs['i_p2w'] = jnp.einsum('lio,oF->liF', arrs['i_p2w'], r4)
    arrs['i_p2b'] = arrs['i_p2b'] @ r4
    arrs['i_e2w'] = jnp.einsum('lio,oF->liF', arrs['i_e2w'], r3)
    arrs['i_e2b'] = arrs['i_e2b'] @ r3

    keep_f32 = {'az', 'pos', 'nbr', 'emb', 'offs', 'i_vb'}
    for n in list(arrs):
        if n.startswith('i_') and arrs[n].ndim == 2:
            arrs[n] = arrs[n].reshape(N_DIR, 1, arrs[n].shape[-1])
        if n in keep_f32:
            continue
        if n.endswith('b'):
            arrs[n] = arrs[n].astype(jnp.float32)
        else:
            arrs[n] = arrs[n].astype(_BF)

    names = list(arrs.keys())
    batch_arrs = {'az', 'pos', 'nbr'}
    layer_arrs = {n for n in names if n.startswith('i_')}

    def spec_for(name):
        shape = arrs[name].shape
        nd = len(shape)
        if name in batch_arrs:
            return pl.BlockSpec((1,) + shape[1:],
                                lambda b, i: (b,) + (0,) * (nd - 1))
        if name in layer_arrs:
            return pl.BlockSpec(
                (1,) + shape[1:],
                lambda b, i: (jnp.maximum(i - 1, 0),) + (0,) * (nd - 1))
        return pl.BlockSpec(shape, lambda b, i, _n=nd: (0,) * _n)

    in_specs = [spec_for(n) for n in names]
    out_names = ['x0_o', 'xi_o', 'xij_o']
    scratch_names = ['oh_s', 'geo_s', 'g_s', 'x_s', 'p_s']
    out_shape = [
        jax.ShapeDtypeStruct((B, A, NCB), jnp.float32),
        jax.ShapeDtypeStruct((B, A, NCB), jnp.float32),
        jax.ShapeDtypeStruct((B, NLAYER, A, NBH, NF), jnp.float32),
    ]
    out_specs = [
        pl.BlockSpec((1, A, NCB), lambda b, i: (b, 0, 0)),
        pl.BlockSpec((1, A, NCB), lambda b, i: (b, 0, 0)),
        pl.BlockSpec((1, 1, A, NBH, NF), lambda b, i: (b, i, 0, 0, 0)),
    ]
    scratch_shapes = [
        pltpu.VMEM((RWS, A), _BF),
        pltpu.VMEM((RWS, 8), _BF),
        pltpu.VMEM((RWS, N_GAUSS), _BF),
        pltpu.VMEM((A, NCB), jnp.float32),
        pltpu.VMEM((RWS, NF), jnp.float32),
    ]

    fn = pl.pallas_call(
        functools.partial(_body, names + out_names + scratch_names),
        grid=(B, NLAYER),
        in_specs=in_specs,
        out_specs=out_specs,
        out_shape=out_shape,
        scratch_shapes=scratch_shapes,
        compiler_params=pltpu.CompilerParams(
            dimension_semantics=('parallel', 'arbitrary')),
    )
    x0, xi, xij = fn(*[arrs[n] for n in names])
    return x0, xi, jnp.transpose(xij, (0, 2, 3, 1, 4))

# --- scband reference (transcript-rebuilt; emitter-appended) ---
"""Pipeline reference for scband-sch-norb-27547920237286 (READ-ONLY COPY).

The authoritative reference and input builder live on the scoring server;
editing this copy changes nothing except your own understanding.
"""

import jax, jax.numpy as jnp
import numpy as np

B, A, NBH = 4, 64, 48
CUTOFF = 10.0
N_GAUSS = 50
N_FACTORS = 128
N_CB = 32
DIRS = 4
LMAX = 4
N_INTER = 2
MAX_Z = 100

def ssp(x):
    return jax.nn.softplus(x) - jnp.log(2.0)

def dense(p, x, act=None):
    y = x @ p['w']
    if 'b' in p:
        y = y + p['b']
    if act is not None:
        y = act(y)
    return y

def _lin(key, n_in, n_out, bias=True):
    k1, k2 = jax.random.split(key)
    p = {'w': jax.random.normal(k1, (n_in, n_out), dtype=jnp.float32) / np.sqrt(n_in)}
    if bias:
        p['b'] = 0.1 * jax.random.normal(k2, (n_out,), dtype=jnp.float32)
    return p

def _schnet_params(key):
    ks = jax.random.split(key, 5)
    return {'filt1': _lin(ks[0], N_GAUSS, N_FACTORS), 'filt2': _lin(ks[1], N_FACTORS, N_FACTORS), 'in2f': _lin(ks[2], N_CB, N_FACTORS, bias=False), 'f2out': _lin(ks[3], N_FACTORS, N_CB), 'dense': _lin(ks[4], N_CB, N_CB)}

def _schnorb_params(key, directions):
    ks = jax.random.split(key, 13)
    p = {'filt1': _lin(ks[0], N_GAUSS, N_FACTORS), 'filt2': _lin(ks[1], N_FACTORS, N_FACTORS), 'ft_in2f': _lin(ks[2], N_CB, N_FACTORS, bias=False), 'ft_f2out': _lin(ks[3], N_FACTORS, N_FACTORS), 'atom1': _lin(ks[4], N_FACTORS, N_FACTORS), 'atom2': _lin(ks[5], N_FACTORS, N_CB), 'pair1': _lin(ks[6], N_FACTORS, N_FACTORS), 'pair2': _lin(ks[7], N_FACTORS, N_CB), 'env1': _lin(ks[8], N_FACTORS, N_FACTORS), 'env2': _lin(ks[9], N_FACTORS, N_CB)}
    if directions:
        p['pair_mult'] = _lin(ks[10], 3, DIRS)
        p['env_mult1'] = _lin(ks[11], 3, DIRS)
        p['env_mult2'] = _lin(ks[12], 3, DIRS)
    return p

def _gather_atoms(y, neighbors):
    b, a, n = neighbors.shape
    flat = neighbors.reshape(b, a * n)
    out = jax.vmap(lambda yy, nb: yy[nb])(y, flat)
    return out.reshape((b, a, n) + y.shape[2:])

def _filters(p, f_ij, r_ij):
    W = dense(p['filt2'], dense(p['filt1'], f_ij, ssp))
    C = (r_ij <= CUTOFF).astype(jnp.float32)
    return W * C[..., None]

def schnet_interaction(p, x, r_ij, neighbors, neighbor_mask, f_ij):
    W = _filters(p, f_ij, r_ij)
    y_j = _gather_atoms(dense(p['in2f'], x), neighbors)
    y = jnp.sum(y_j * W * neighbor_mask[..., None], axis=2)
    y = dense(p['f2out'], y, ssp)
    return dense(p['dense'], y)

def ftlayer(p, x, r_ij, neighbors, f_ij):
    W = _filters(p, f_ij, r_ij)
    y = dense(p['ft_in2f'], x)
    y_j = _gather_atoms(y, neighbors)
    y = y[:, :, None, :] * y_j * W
    return dense(p['ft_f2out'], y, ssp)

def schnorb_interaction(p, xi, r_ij, cos_ij, neighbors, neighbor_mask, f_ij, directions):
    v = ftlayer(p, xi, r_ij, neighbors, f_ij)
    vi = jnp.sum(v * neighbor_mask[..., None], axis=2)
    vi = dense(p['atom2'], dense(p['atom1'], vi, ssp))
    vij = dense(p['pair2'], dense(p['pair1'], v, ssp))
    Vij = vij[..., None] * cos_ij[:, :, :, None, :]
    if directions:
        Vij = dense(p['pair_mult'], Vij)
    vik = dense(p['env2'], dense(p['env1'], v, ssp))
    vik = vik[..., None] * cos_ij[:, :, :, None, :]
    Vik = jnp.sum(vik * neighbor_mask[:, :, :, None, None], axis=2)
    Vjl = _gather_atoms(Vik, neighbors)
    if directions:
        Vik = dense(p['env_mult1'], Vik)
        Vjl = dense(p['env_mult2'], Vjl)
    V = Vij + Vik[:, :, None] + Vjl
    return vi, V

def schnorb_forward(params, atomic_numbers, positions, cell, cell_offset, neighbors, neighbor_mask):
    x0 = jnp.take(params['emb'], atomic_numbers, axis=0)
    pos_j = _gather_atoms(positions, neighbors)
    dist_vec = pos_j - positions[:, :, None, :] + jnp.einsum('bank,bkl->banl', cell_offset, cell)
    s = jnp.sum(dist_vec * dist_vec, axis=-1)
    nz = (s > 0).astype(jnp.float32)
    r_ij = jnp.sqrt(jnp.where(s > 0, s, 1.0)) * nz
    cos_ij = dist_vec / jnp.where(r_ij[..., None] > 0, r_ij[..., None], 1.0)
    offs = jnp.linspace(0.0, CUTOFF, N_GAUSS)
    width = offs[1] - offs[0]
    g_ij = jnp.exp((-0.5 / width ** 2) * (r_ij[..., None] - offs) ** 2)
    ones = jnp.ones(cos_ij.shape[:3] + (1,), dtype=jnp.float32)
    xi = x0
    for p in params['schnet']:
        xi = xi + schnet_interaction(p, xi, r_ij, neighbors, neighbor_mask, g_ij)
    v, V = schnorb_interaction(params['first'], xi, r_ij, ones, neighbors, neighbor_mask, g_ij, False)
    xi = xi + v
    V = jnp.broadcast_to(V, V.shape[:4] + (DIRS,))
    xij = [V.reshape(V.shape[:3] + (1, -1))]
    for p in params['inter']:
        v, V = schnorb_interaction(p, xi, r_ij, cos_ij, neighbors, neighbor_mask, g_ij, True)
        xi = xi + v
        xij.append(V.reshape(V.shape[:3] + (1, -1)))
    Xij = jnp.cumprod(jnp.concatenate(xij, axis=3), axis=3)
    return x0, xi, Xij

def setup_inputs(seed: int = 0):
    key = jax.random.key(seed)
    ks = jax.random.split(key, 8)
    atomic_numbers = jax.random.randint(ks[0], (B, A), 0, MAX_Z)
    positions = 3.0 * jax.random.normal(ks[1], (B, A, 3), dtype=jnp.float32)
    cell = jax.random.normal(ks[2], (B, 3, 3), dtype=jnp.float32)
    cell_offset = jnp.zeros((B, A, NBH, 3), dtype=jnp.float32)
    neighbors = jax.random.randint(ks[3], (B, A, NBH), 0, A)
    neighbor_mask = jnp.ones((B, A, NBH), dtype=jnp.float32)
    params = {'emb': jax.random.normal(ks[4], (MAX_Z, N_CB), dtype=jnp.float32).at[0].set(0.0), 'schnet': [_schnet_params(jax.random.fold_in(ks[5], i)) for i in range(N_INTER)], 'first': _schnorb_params(ks[6], False), 'inter': [_schnorb_params(jax.random.fold_in(ks[7], i), True) for i in range(2 * LMAX)]}
    return {'atomic_numbers': atomic_numbers, 'positions': positions, 'cell': cell, 'cell_offset': cell_offset, 'neighbors': neighbors, 'neighbor_mask': neighbor_mask, 'params': params}

def reference(atomic_numbers, positions, cell, cell_offset, neighbors, neighbor_mask, params):
    return schnorb_forward(params, atomic_numbers, positions, cell, cell_offset, neighbors, neighbor_mask)

if __name__ == "__main__":
    import jax
    _d = setup_inputs()
    print(jax.jit(kernel)(*tuple(_d.values())))

</pallas_src>

<mosaic_0001>
module attributes {stable_mosaic.version = 14 : i64} {
  func.func @_body(%arg0: i32, %arg1: i32, %arg2: memref<1x1x64xi32, #tpu.memory_space<vmem>>, %arg3: memref<1x64x3xf32, #tpu.memory_space<vmem>>, %arg4: memref<1x64x48xi32, #tpu.memory_space<vmem>>, %arg5: memref<100x32xf32, #tpu.memory_space<vmem>>, %arg6: memref<1x50xf32, #tpu.memory_space<vmem>>, %arg7: memref<32x128xbf16, #tpu.memory_space<vmem>>, %arg8: memref<8x96xbf16, #tpu.memory_space<vmem>>, %arg9: memref<2x50x128xbf16, #tpu.memory_space<vmem>>, %arg10: memref<2x128xf32, #tpu.memory_space<vmem>>, %arg11: memref<2x128x128xbf16, #tpu.memory_space<vmem>>, %arg12: memref<2x128xf32, #tpu.memory_space<vmem>>, %arg13: memref<2x32x128xbf16, #tpu.memory_space<vmem>>, %arg14: memref<2x128x32xbf16, #tpu.memory_space<vmem>>, %arg15: memref<2x32xf32, #tpu.memory_space<vmem>>, %arg16: memref<2x32x32xbf16, #tpu.memory_space<vmem>>, %arg17: memref<2x32xf32, #tpu.memory_space<vmem>>, %arg18: memref<50x128xbf16, #tpu.memory_space<vmem>>, %arg19: memref<128xf32, #tpu.memory_space<vmem>>, %arg20: memref<128x128xbf16, #tpu.memory_space<vmem>>, %arg21: memref<128xf32, #tpu.memory_space<vmem>>, %arg22: memref<32x128xbf16, #tpu.memory_space<vmem>>, %arg23: memref<128x128xbf16, #tpu.memory_space<vmem>>, %arg24: memref<128xf32, #tpu.memory_space<vmem>>, %arg25: memref<128x128xbf16, #tpu.memory_space<vmem>>, %arg26: memref<128xf32, #tpu.memory_space<vmem>>, %arg27: memref<128x32xbf16, #tpu.memory_space<vmem>>, %arg28: memref<32xf32, #tpu.memory_space<vmem>>, %arg29: memref<128x128xbf16, #tpu.memory_space<vmem>>, %arg30: memref<128xf32, #tpu.memory_space<vmem>>, %arg31: memref<128x32xbf16, #tpu.memory_space<vmem>>, %arg32: memref<32xf32, #tpu.memory_space<vmem>>, %arg33: memref<128x128xbf16, #tpu.memory_space<vmem>>, %arg34: memref<128xf32, #tpu.memory_space<vmem>>, %arg35: memref<128x32xbf16, #tpu.memory_space<vmem>>, %arg36: memref<32xf32, #tpu.memory_space<vmem>>, %arg37: memref<1x50x128xbf16, #tpu.memory_space<vmem>>, %arg38: memref<1x1x128xf32, #tpu.memory_space<vmem>>, %arg39: memref<1x128x128xbf16, #tpu.memory_space<vmem>>, %arg40: memref<1x1x128xf32, #tpu.memory_space<vmem>>, %arg41: memref<1x32x128xbf16, #tpu.memory_space<vmem>>, %arg42: memref<1x128x128xbf16, #tpu.memory_space<vmem>>, %arg43: memref<1x1x128xf32, #tpu.memory_space<vmem>>, %arg44: memref<1x128x128xbf16, #tpu.memory_space<vmem>>, %arg45: memref<1x1x128xf32, #tpu.memory_space<vmem>>, %arg46: memref<1x128x32xbf16, #tpu.memory_space<vmem>>, %arg47: memref<1x1x32xf32, #tpu.memory_space<vmem>>, %arg48: memref<1x128x128xbf16, #tpu.memory_space<vmem>>, %arg49: memref<1x1x128xf32, #tpu.memory_space<vmem>>, %arg50: memref<1x128x128xbf16, #tpu.memory_space<vmem>>, %arg51: memref<1x1x128xf32, #tpu.memory_space<vmem>>, %arg52: memref<1x128x128xbf16, #tpu.memory_space<vmem>>, %arg53: memref<1x1x128xf32, #tpu.memory_space<vmem>>, %arg54: memref<1x128x96xbf16, #tpu.memory_space<vmem>>, %arg55: memref<1x1x96xf32, #tpu.memory_space<vmem>>, %arg56: memref<1x8x128xbf16, #tpu.memory_space<vmem>>, %arg57: memref<1x96x128xbf16, #tpu.memory_space<vmem>>, %arg58: memref<1x96x128xbf16, #tpu.memory_space<vmem>>, %arg59: memref<1x1x128xf32, #tpu.memory_space<vmem>>, %arg60: memref<1x64x32xf32, #tpu.memory_space<vmem>>, %arg61: memref<1x64x32xf32, #tpu.memory_space<vmem>>, %arg62: memref<1x1x64x48x128xf32, #tpu.memory_space<vmem>>, %arg63: memref<3072x64xbf16, #tpu.memory_space<vmem>>, %arg64: memref<3072x8xbf16, #tpu.memory_space<vmem>>, %arg65: memref<3072x50xbf16, #tpu.memory_space<vmem>>, %arg66: memref<64x32xf32, #tpu.memory_space<vmem>>, %arg67: memref<3072x128xf32, #tpu.memory_space<vmem>>) attributes {dimension_semantics = [#tpu.dimension_semantics<parallel>, #tpu.dimension_semantics<arbitrary>], iteration_bounds = array<i64: 4, 9>, scalar_prefetch = 0 : i64, scratch_operands = 5 : i64, tpu.core_type = #tpu.core_type<tc>, window_params = [{transform_indices = @transform_0, window_bounds = array<i64: 1, 1, 64>}, {transform_indices = @transform_1, window_bounds = array<i64: 1, 64, 3>}, {transform_indices = @transform_2, window_bounds = array<i64: 1, 64, 48>}, {pipeline_mode = #tpu.pipeline_mode<synchronous>, transform_indices = @transform_3, window_bounds = array<i64: 100, 32>}, {pipeline_mode = #tpu.pipeline_mode<synchronous>, transform_indices = @transform_4, window_bounds = array<i64: 1, 50>}, {pipeline_mode = #tpu.pipeline_mode<synchronous>, transform_indices = @transform_5, window_bounds = array<i64: 32, 128>}, {pipeline_mode = #tpu.pipeline_mode<synchronous>, transform_indices = @transform_6, window_bounds = array<i64: 8, 96>}, {pipeline_mode = #tpu.pipeline_mode<synchronous>, transform_indices = @transform_7, window_bounds = array<i64: 2, 50, 128>}, {pipeline_mode = #tpu.pipeline_mode<synchronous>, transform_indices = @transform_8, window_bounds = array<i64: 2, 128>}, {pipeline_mode = #tpu.pipeline_mode<synchronous>, transform_indices = @transform_9, window_bounds = array<i64: 2, 128, 128>}, {pipeline_mode = #tpu.pipeline_mode<synchronous>, transform_indices = @transform_10, window_bounds = array<i64: 2, 128>}, {pipeline_mode = #tpu.pipeline_mode<synchronous>, transform_indices = @transform_11, window_bounds = array<i64: 2, 32, 128>}, {pipeline_mode = #tpu.pipeline_mode<synchronous>, transform_indices = @transform_12, window_bounds = array<i64: 2, 128, 32>}, {pipeline_mode = #tpu.pipeline_mode<synchronous>, transform_indices = @transform_13, window_bounds = array<i64: 2, 32>}, {pipeline_mode = #tpu.pipeline_mode<synchronous>, transform_indices = @transform_14, window_bounds = array<i64: 2, 32, 32>}, {pipeline_mode = #tpu.pipeline_mode<synchronous>, transform_indices = @transform_15, window_bounds = array<i64: 2, 32>}, {pipeline_mode = #tpu.pipeline_mode<synchronous>, transform_indices = @transform_16, window_bounds = array<i64: 50, 128>}, {pipeline_mode = #tpu.pipeline_mode<synchronous>, transform_indices = @transform_17, window_bounds = array<i64: 128>}, {pipeline_mode = #tpu.pipeline_mode<synchronous>, transform_indices = @transform_18, window_bounds = array<i64: 128, 128>}, {pipeline_mode = #tpu.pipeline_mode<synchronous>, transform_indices = @transform_19, window_bounds = array<i64: 128>}, {pipeline_mode = #tpu.pipeline_mode<synchronous>, transform_indices = @transform_20, window_bounds = array<i64: 32, 128>}, {pipeline_mode = #tpu.pipeline_mode<synchronous>, transform_indices = @transform_21, window_bounds = array<i64: 128, 128>}, {pipeline_mode = #tpu.pipeline_mode<synchronous>, transform_indices = @transform_22, window_bounds = array<i64: 128>}, {pipeline_mode = #tpu.pipeline_mode<synchronous>, transform_indices = @transform_23, window_bounds = array<i64: 128, 128>}, {pipeline_mode = #tpu.pipeline_mode<synchronous>, transform_indices = @transform_24, window_bounds = array<i64: 128>}, {pipeline_mode = #tpu.pipeline_mode<synchronous>, transform_indices = @transform_25, window_bounds = array<i64: 128, 32>}, {pipeline_mode = #tpu.pipeline_mode<synchronous>, transform_indices = @transform_26, window_bounds = array<i64: 32>}, {pipeline_mode = #tpu.pipeline_mode<synchronous>, transform_indices = @transform_27, window_bounds = array<i64: 128, 128>}, {pipeline_mode = #tpu.pipeline_mode<synchronous>, transform_indices = @transform_28, window_bounds = array<i64: 128>}, {pipeline_mode = #tpu.pipeline_mode<synchronous>, transform_indices = @transform_29, window_bounds = array<i64: 128, 32>}, {pipeline_mode = #tpu.pipeline_mode<synchronous>, transform_indices = @transform_30, window_bounds = array<i64: 32>}, {pipeline_mode = #tpu.pipeline_mode<synchronous>, transform_indices = @transform_31, window_bounds = array<i64: 128, 128>}, {pipeline_mode = #tpu.pipeline_mode<synchronous>, transform_indices = @transform_32, window_bounds = array<i64: 128>}, {pipeline_mode = #tpu.pipeline_mode<synchronous>, transform_indices = @transform_33, window_bounds = array<i64: 128, 32>}, {pipeline_mode = #tpu.pipeline_mode<synchronous>, transform_indices = @transform_34, window_bounds = array<i64: 32>}, {transform_indices = @transform_35, window_bounds = array<i64: 1, 50, 128>}, {transform_indices = @transform_36, window_bounds = array<i64: 1, 1, 128>}, {transform_indices = @transform_37, window_bounds = array<i64: 1, 128, 128>}, {transform_indices = @transform_38, window_bounds = array<i64: 1, 1, 128>}, {transform_indices = @transform_39, window_bounds = array<i64: 1, 32, 128>}, {transform_indices = @transform_40, window_bounds = array<i64: 1, 128, 128>}, {transform_indices = @transform_41, window_bounds = array<i64: 1, 1, 128>}, {transform_indices = @transform_42, window_bounds = array<i64: 1, 128, 128>}, {transform_indices = @transform_43, window_bounds = array<i64: 1, 1, 128>}, {transform_indices = @transform_44, window_bounds = array<i64: 1, 128, 32>}, {transform_indices = @transform_45, window_bounds = array<i64: 1, 1, 32>}, {transform_indices = @transform_46, window_bounds = array<i64: 1, 128, 128>}, {transform_indices = @transform_47, window_bounds = array<i64: 1, 1, 128>}, {transform_indices = @transform_48, window_bounds = array<i64: 1, 128, 128>}, {transform_indices = @transform_49, window_bounds = array<i64: 1, 1, 128>}, {transform_indices = @transform_50, window_bounds = array<i64: 1, 128, 128>}, {transform_indices = @transform_51, window_bounds = array<i64: 1, 1, 128>}, {transform_indices = @transform_52, window_bounds = array<i64: 1, 128, 96>}, {transform_indices = @transform_53, window_bounds = array<i64: 1, 1, 96>}, {transform_indices = @transform_54, window_bounds = array<i64: 1, 8, 128>}, {transform_indices = @transform_55, window_bounds = array<i64: 1, 96, 128>}, {transform_indices = @transform_56, window_bounds = array<i64: 1, 96, 128>}, {transform_indices = @transform_57, window_bounds = array<i64: 1, 1, 128>}, {transform_indices = @transform_58, window_bounds = array<i64: 1, 64, 32>}, {transform_indices = @transform_59, window_bounds = array<i64: 1, 64, 32>}, {transform_indices = @transform_60, window_bounds = array<i64: 1, 1, 64, 48, 128>}]} {
    %eq3A = arith.constant 0 : i32
    %eq3A_0 = arith.cmpi eq, %arg1, %eq3A : i32
    %convert_element_type3A = arith.extui %eq3A_0 : i1 to i32
    %cond3A = arith.constant 0 : i32
    %cond3A_1 = arith.cmpi ne, %convert_element_type3A, %cond3A : i32
    scf.if %cond3A_1 {
      %get3A = arith.constant 0 : index
      %get3A_11 = arith.constant 0 : index
      %get3A_12 = arith.constant 0 : index
      %get3A_13 = vector.load %arg2[%get3A, %get3A_11, %get3A_12] : memref<1x1x64xi32, #tpu.memory_space<vmem>>, vector<1x1x64xi32>
      %get3A_14 = vector.shape_cast %get3A_13 : vector<1x1x64xi32> to vector<64xi32>
      %iota3A = tpu.iota {dimensions = array<i32: 1>} : vector<64x100xi32>
      %broadcast_in_dim3A = vector.shape_cast %get3A_14 : vector<64xi32> to vector<64x1xi32>
      %eq3A_15 = vector.broadcast %broadcast_in_dim3A : vector<64x1xi32> to vector<64x100xi32>
      %eq3A_16 = arith.cmpi eq, %eq3A_15, %iota3A : vector<64x100xi32>
      %convert_element_type3A_17 = arith.extui %eq3A_16 : vector<64x100xi1> to vector<64x100xi32>
      %convert_element_type3A_18 = arith.sitofp %convert_element_type3A_17 : vector<64x100xi32> to vector<64x100xf32>
      %get3A_19 = arith.constant 0 : index
      %get3A_20 = arith.constant 0 : index
      %get3A_21 = vector.load %arg5[%get3A_19, %get3A_20] : memref<100x32xf32, #tpu.memory_space<vmem>>, vector<100x32xf32>
      %dot_general3A = arith.constant dense<0.000000e+00> : vector<64x32xf32>
      %dot_general3A_22 = tpu.matmul %convert_element_type3A_18, %get3A_21, %dot_general3A {dimension_numbers = #tpu.dot_dimension_numbers<[1], [0], [0], [1], [0, 0, 1, 1], [], []>, precision = #tpu.contract_precision<fp32>, transpose_lhs_hint = false} : vector<64x100xf32>, vector<100x32xf32>, vector<64x32xf32> -> vector<64x32xf32>
      %swap3A = arith.constant 0 : index
      %swap3A_23 = arith.constant 0 : index
      %swap3A_24 = arith.constant 0 : index
      %swap3A_25 = vector.load %arg60[%swap3A, %swap3A_23, %swap3A_24] : memref<1x64x32xf32, #tpu.memory_space<vmem>>, vector<1x64x32xf32>
      %swap3A_26 = vector.shape_cast %swap3A_25 : vector<1x64x32xf32> to vector<64x32xf32>
      %swap3A_27 = vector.shape_cast %dot_general3A_22 : vector<64x32xf32> to vector<1x64x32xf32>
      tpu.vector_store %arg60[%swap3A, %swap3A_23, %swap3A_24], %swap3A_27 {strides = array<i32>} : memref<1x64x32xf32, #tpu.memory_space<vmem>>, vector<1x64x32xf32>,
      %get3A_28 = arith.constant 0 : index
      %get3A_29 = arith.constant 0 : index
      %get3A_30 = arith.constant 0 : index
      %get3A_31 = vector.load %arg4[%get3A_28, %get3A_29, %get3A_30] : memref<1x64x48xi32, #tpu.memory_space<vmem>>, vector<1x64x48xi32>
      %get3A_32 = vector.shape_cast %get3A_31 : vector<1x64x48xi32> to vector<64x48xi32>
      %iota3A_33 = tpu.iota {dimensions = array<i32: 2>} : vector<64x48x64xi32>
      %broadcast_in_dim3A_34 = vector.shape_cast %get3A_32 : vector<64x48xi32> to vector<64x48x1xi32>
      %eq3A_35 = vector.broadcast %broadcast_in_dim3A_34 : vector<64x48x1xi32> to vector<64x48x64xi32>
      %eq3A_36 = arith.cmpi eq, %eq3A_35, %iota3A_33 : vector<64x48x64xi32>
      %convert_element_type3A_37 = arith.extui %eq3A_36 : vector<64x48x64xi1> to vector<64x48x64xi32>
      %convert_element_type3A_38 = arith.sitofp %convert_element_type3A_37 : vector<64x48x64xi32> to vector<64x48x64xf32>
      %reshape3A = vector.shape_cast %convert_element_type3A_38 : vector<64x48x64xf32> to vector<3072x64xf32>
      %convert_element_type3A_39 = arith.truncf %reshape3A : vector<3072x64xf32> to vector<3072x64xbf16>
      %swap3A_40 = arith.constant 0 : index
      %swap3A_41 = arith.constant 0 : index
      %swap3A_42 = vector.load %arg63[%swap3A_40, %swap3A_41] : memref<3072x64xbf16, #tpu.memory_space<vmem>>, vector<3072x64xbf16>
      tpu.vector_store %arg63[%swap3A_40, %swap3A_41], %convert_element_type3A_39 {strides = array<i32>} : memref<3072x64xbf16, #tpu.memory_space<vmem>>, vector<3072x64xbf16>,
      %get3A_43 = arith.constant 0 : index
      %get3A_44 = arith.constant 0 : index
      %get3A_45 = arith.constant 0 : index
      %get3A_46 = vector.load %arg3[%get3A_43, %get3A_44, %get3A_45] : memref<1x64x3xf32, #tpu.memory_space<vmem>>, vector<1x64x3xf32>
      %get3A_47 = vector.shape_cast %get3A_46 : vector<1x64x3xf32> to vector<64x3xf32>
      %dot_general3A_48 = arith.constant dense<0.000000e+00> : vector<3072x3xf32>
      %dot_general3A_49 = tpu.matmul %reshape3A, %get3A_47, %dot_general3A_48 {dimension_numbers = #tpu.dot_dimension_numbers<[1], [0], [0], [1], [0, 0, 1, 1], [], []>, transpose_lhs_hint = false} : vector<3072x64xf32>, vector<64x3xf32>, vector<3072x3xf32> -> vector<3072x3xf32>
      %reshape3A_50 = vector.shape_cast %dot_general3A_49 : vector<3072x3xf32> to vector<64x48x3xf32>
      %broadcast_in_dim3A_51 = vector.shape_cast %get3A_47 : vector<64x3xf32> to vector<64x1x3xf32>
      %sub3A = vector.broadcast %broadcast_in_dim3A_51 : vector<64x1x3xf32> to vector<64x48x3xf32>
      %sub3A_52 = arith.subf %reshape3A_50, %sub3A : vector<64x48x3xf32>
      %reshape3A_53 = vector.shape_cast %sub3A_52 : vector<64x48x3xf32> to vector<3072x3xf32>
      %mul3A = arith.mulf %reshape3A_53, %reshape3A_53 : vector<3072x3xf32>
      %reduce_sum3A = arith.constant dense<0.000000e+00> : vector<3072xf32>
      %reduce_sum3A_54 = vector.multi_reduction <add>, %mul3A, %reduce_sum3A [1] : vector<3072x3xf32> to vector<3072xf32>
      %broadcast_in_dim3A_55 = vector.shape_cast %reduce_sum3A_54 : vector<3072xf32> to vector<3072x1xf32>
      %gt3A_56 = arith.constant 0.000000e+00 : f32
      %gt3A_57 = vector.broadcast %gt3A_56 : f32 to vector<3072x1xf32>
      %gt3A_58 = arith.cmpf ogt, %broadcast_in_dim3A_55, %gt3A_57 : vector<3072x1xf32>
      %jit3A = arith.constant 1.000000e+00 : f32
      %broadcast_in_dim3A_59 = vector.broadcast %jit3A : f32 to vector<3072x1xf32>
      %select_n3A = arith.select %gt3A_58, %broadcast_in_dim3A_55, %broadcast_in_dim3A_59 : vector<3072x1xi1>, vector<3072x1xf32>
      %sqrt3A = math.sqrt %select_n3A : vector<3072x1xf32>
      %gt3A_60 = arith.constant 0.000000e+00 : f32
      %gt3A_61 = vector.broadcast %gt3A_60 : f32 to vector<3072x1xf32>
      %gt3A_62 = arith.cmpf ogt, %broadcast_in_dim3A_55, %gt3A_61 : vector<3072x1xf32>
      %convert_element_type3A_63 = arith.extui %gt3A_62 : vector<3072x1xi1> to vector<3072x1xi32>
      %convert_element_type3A_64 = arith.sitofp %convert_element_type3A_63 : vector<3072x1xi32> to vector<3072x1xf32>
      %mul3A_65 = arith.mulf %sqrt3A, %convert_element_type3A_64 : vector<3072x1xf32>
      %gt3A_66 = arith.constant 0.000000e+00 : f32
      %gt3A_67 = vector.broadcast %gt3A_66 : f32 to vector<3072x1xf32>
      %gt3A_68 = arith.cmpf ogt, %mul3A_65, %gt3A_67 : vector<3072x1xf32>
      %jit3A_69 = arith.constant 1.000000e+00 : f32
      %broadcast_in_dim3A_70 = vector.broadcast %jit3A_69 : f32 to vector<3072x1xf32>
      %select_n3A_71 = arith.select %gt3A_68, %mul3A_65, %broadcast_in_dim3A_70 : vector<3072x1xi1>, vector<3072x1xf32>
      %div3A = vector.broadcast %select_n3A_71 : vector<3072x1xf32> to vector<3072x3xf32>
      %div3A_72 = arith.divf %reshape3A_53, %div3A : vector<3072x3xf32>
      %le3A = arith.constant 1.000000e+01 : f32
      %le3A_73 = vector.broadcast %le3A : f32 to vector<3072x1xf32>
      %le3A_74 = arith.cmpf ole, %mul3A_65, %le3A_73 : vector<3072x1xf32>
      %convert_element_type3A_75 = arith.extui %le3A_74 : vector<3072x1xi1> to vector<3072x1xi32>
      %convert_element_type3A_76 = arith.sitofp %convert_element_type3A_75 : vector<3072x1xi32> to vector<3072x1xf32>
      %broadcast_in_dim3A_77 = arith.constant 0.000000e+00 : f32
      %broadcast_in_dim3A_78 = vector.broadcast %broadcast_in_dim3A_77 : f32 to vector<3072x4xf32>
      %concatenate3A = tpu.concatenate %div3A_72, %convert_element_type3A_76, %broadcast_in_dim3A_78 in 1 : vector<3072x3xf32>, vector<3072x1xf32>, vector<3072x4xf32> -> vector<3072x8xf32>
      %convert_element_type3A_79 = arith.truncf %concatenate3A : vector<3072x8xf32> to vector<3072x8xbf16>
      %swap3A_80 = arith.constant 0 : index
      %swap3A_81 = arith.constant 0 : index
      %swap3A_82 = vector.load %arg64[%swap3A_80, %swap3A_81] : memref<3072x8xbf16, #tpu.memory_space<vmem>>, vector<3072x8xbf16>
      tpu.vector_store %arg64[%swap3A_80, %swap3A_81], %convert_element_type3A_79 {strides = array<i32>} : memref<3072x8xbf16, #tpu.memory_space<vmem>>, vector<3072x8xbf16>,
      %get3A_83 = arith.constant 0 : index
      %get3A_84 = arith.constant 0 : index
      %get3A_85 = vector.load %arg6[%get3A_83, %get3A_84] : memref<1x50xf32, #tpu.memory_space<vmem>>, vector<1x50xf32>
      %sub3A_86 = vector.broadcast %mul3A_65 : vector<3072x1xf32> to vector<3072x50xf32>
      %sub3A_87 = vector.broadcast %get3A_85 : vector<1x50xf32> to vector<3072x50xf32>
      %sub3A_88 = arith.subf %sub3A_86, %sub3A_87 : vector<3072x50xf32>
      %integer_pow3A = arith.mulf %sub3A_88, %sub3A_88 : vector<3072x50xf32>
      %mul3A_89 = arith.constant -12.0049992 : f32
      %mul3A_90 = vector.broadcast %mul3A_89 : f32 to vector<3072x50xf32>
      %mul3A_91 = arith.mulf %mul3A_90, %integer_pow3A : vector<3072x50xf32>
      %exp3A = math.exp %mul3A_91 : vector<3072x50xf32>
      %convert_element_type3A_92 = arith.truncf %exp3A : vector<3072x50xf32> to vector<3072x50xbf16>
      %swap3A_93 = arith.constant 0 : index
      %swap3A_94 = arith.constant 0 : index
      %swap3A_95 = vector.load %arg65[%swap3A_93, %swap3A_94] : memref<3072x50xbf16, #tpu.memory_space<vmem>>, vector<3072x50xbf16>
      tpu.vector_store %arg65[%swap3A_93, %swap3A_94], %convert_element_type3A_92 {strides = array<i32>} : memref<3072x50xbf16, #tpu.memory_space<vmem>>, vector<3072x50xbf16>,
      %get3A_96 = arith.constant 0 : index
      %get3A_97 = arith.constant 0 : index
      %get3A_98 = arith.constant 0 : index
      %get3A_99 = vector.load %arg9[%get3A_96, %get3A_97, %get3A_98] : memref<2x50x128xbf16, #tpu.memory_space<vmem>>, vector<2x50x128xbf16>
      %slice3A = vector.extract_strided_slice %get3A_99 {offsets = [0, 0, 0], sizes = [1, 50, 128], strides = [1, 1, 1]} : vector<2x50x128xbf16> to vector<1x50x128xbf16>
      %squeeze3A = vector.shape_cast %slice3A : vector<1x50x128xbf16> to vector<50x128xbf16>
      %get3A_100 = arith.constant 0 : index
      %get3A_101 = arith.constant 0 : index
      %get3A_102 = vector.load %arg10[%get3A_100, %get3A_101] : memref<2x128xf32, #tpu.memory_space<vmem>>, vector<2x128xf32>
      %slice3A_103 = vector.extract_strided_slice %get3A_102 {offsets = [0, 0], sizes = [1, 128], strides = [1, 1]} : vector<2x128xf32> to vector<1x128xf32>
      %squeeze3A_104 = vector.shape_cast %slice3A_103 : vector<1x128xf32> to vector<128xf32>
      %get3A_105 = arith.constant 0 : index
      %get3A_106 = arith.constant 0 : index
      %get3A_107 = arith.constant 0 : index
      %get3A_108 = vector.load %arg11[%get3A_105, %get3A_106, %get3A_107] : memref<2x128x128xbf16, #tpu.memory_space<vmem>>, vector<2x128x128xbf16>
      %slice3A_109 = vector.extract_strided_slice %get3A_108 {offsets = [0, 0, 0], sizes = [1, 128, 128], strides = [1, 1, 1]} : vector<2x128x128xbf16> to vector<1x128x128xbf16>
      %squeeze3A_110 = vector.shape_cast %slice3A_109 : vector<1x128x128xbf16> to vector<128x128xbf16>
      %get3A_111 = arith.constant 0 : index
      %get3A_112 = arith.constant 0 : index
      %get3A_113 = vector.load %arg12[%get3A_111, %get3A_112] : memref<2x128xf32, #tpu.memory_space<vmem>>, vector<2x128xf32>
      %slice3A_114 = vector.extract_strided_slice %get3A_113 {offsets = [0, 0], sizes = [1, 128], strides = [1, 1]} : vector<2x128xf32> to vector<1x128xf32>
      %squeeze3A_115 = vector.shape_cast %slice3A_114 : vector<1x128xf32> to vector<128xf32>
      %dot_general3A_116 = arith.constant dense<0.000000e+00> : vector<3072x128xf32>
      %dot_general3A_117 = tpu.matmul %convert_element_type3A_92, %squeeze3A, %dot_general3A_116 {dimension_numbers = #tpu.dot_dimension_numbers<[1], [0], [0], [1], [0, 0, 1, 1], [], []>, transpose_lhs_hint = false} : vector<3072x50xbf16>, vector<50x128xbf16>, vector<3072x128xf32> -> vector<3072x128xf32>
      %broadcast_in_dim3A_118 = vector.shape_cast %squeeze3A_104 : vector<128xf32> to vector<1x128xf32>
      %add3A = vector.broadcast %broadcast_in_dim3A_118 : vector<1x128xf32> to vector<3072x128xf32>
      %add3A_119 = arith.addf %dot_general3A_117, %add3A : vector<3072x128xf32>
      %neg3A = arith.constant 0.000000e+00 : f32
      %neg3A_120 = vector.broadcast %neg3A : f32 to vector<3072x128xf32>
      %neg3A_121 = arith.subf %neg3A_120, %add3A_119 : vector<3072x128xf32>
      %min3A = arith.minimumf %add3A_119, %neg3A_121 : vector<3072x128xf32>
      %exp23A = math.exp2 %min3A : vector<3072x128xf32>
      %max3A = arith.constant 0.000000e+00 : f32
      %max3A_122 = vector.broadcast %max3A : f32 to vector<3072x128xf32>
      %max3A_123 = arith.maximumf %neg3A_121, %max3A_122 : vector<3072x128xf32>
      %add3A_124 = arith.constant 1.000000e+00 : f32
      %add3A_125 = vector.broadcast %add3A_124 : f32 to vector<3072x128xf32>
      %add3A_126 = arith.addf %add3A_125, %exp23A : vector<3072x128xf32>
      %log3A = math.log %add3A_126 : vector<3072x128xf32>
      %log3A_127 = arith.constant 2.000000e+00 : f32
      %log3A_128 = math.log %log3A_127 : f32
      %div3A_129 = vector.broadcast %log3A_128 : f32 to vector<3072x128xf32>
      %div3A_130 = arith.divf %log3A, %div3A_129 : vector<3072x128xf32>
      %add3A_131 = arith.addf %max3A_123, %div3A_130 : vector<3072x128xf32>
      %convert_element_type3A_132 = arith.truncf %add3A_131 : vector<3072x128xf32> to vector<3072x128xbf16>
      %dot_general3A_133 = arith.constant dense<0.000000e+00> : vector<3072x128xf32>
      %dot_general3A_134 = tpu.matmul %convert_element_type3A_132, %squeeze3A_110, %dot_general3A_133 {dimension_numbers = #tpu.dot_dimension_numbers<[1], [0], [0], [1], [0, 0, 1, 1], [], []>, transpose_lhs_hint = false} : vector<3072x128xbf16>, vector<128x128xbf16>, vector<3072x128xf32> -> vector<3072x128xf32>
      %broadcast_in_dim3A_135 = vector.shape_cast %squeeze3A_115 : vector<128xf32> to vector<1x128xf32>
      %add3A_136 = vector.broadcast %broadcast_in_dim3A_135 : vector<1x128xf32> to vector<3072x128xf32>
      %add3A_137 = arith.addf %dot_general3A_134, %add3A_136 : vector<3072x128xf32>
      %mul3A_138 = vector.broadcast %convert_element_type3A_76 : vector<3072x1xf32> to vector<3072x128xf32>
      %mul3A_139 = arith.mulf %add3A_137, %mul3A_138 : vector<3072x128xf32>
      %convert_element_type3A_140 = arith.truncf %dot_general3A_22 : vector<64x32xf32> to vector<64x32xbf16>
      %get3A_141 = arith.constant 0 : index
      %get3A_142 = arith.constant 0 : index
      %get3A_143 = arith.constant 0 : index
      %get3A_144 = vector.load %arg13[%get3A_141, %get3A_142, %get3A_143] : memref<2x32x128xbf16, #tpu.memory_space<vmem>>, vector<2x32x128xbf16>
      %slice3A_145 = vector.extract_strided_slice %get3A_144 {offsets = [0, 0, 0], sizes = [1, 32, 128], strides = [1, 1, 1]} : vector<2x32x128xbf16> to vector<1x32x128xbf16>
      %squeeze3A_146 = vector.shape_cast %slice3A_145 : vector<1x32x128xbf16> to vector<32x128xbf16>
      %dot_general3A_147 = arith.constant dense<0.000000e+00> : vector<64x128xf32>
      %dot_general3A_148 = tpu.matmul %convert_element_type3A_140, %squeeze3A_146, %dot_general3A_147 {dimension_numbers = #tpu.dot_dimension_numbers<[1], [0], [0], [1], [0, 0, 1, 1], [], []>, transpose_lhs_hint = false} : vector<64x32xbf16>, vector<32x128xbf16>, vector<64x128xf32> -> vector<64x128xf32>
      %convert_element_type3A_149 = arith.truncf %dot_general3A_148 : vector<64x128xf32> to vector<64x128xbf16>
      %dot_general3A_150 = arith.constant dense<0.000000e+00> : vector<3072x128xf32>
      %dot_general3A_151 = tpu.matmul %convert_element_type3A_39, %convert_element_type3A_149, %dot_general3A_150 {dimension_numbers = #tpu.dot_dimension_numbers<[1], [0], [0], [1], [0, 0, 1, 1], [], []>, transpose_lhs_hint = false} : vector<3072x64xbf16>, vector<64x128xbf16>, vector<3072x128xf32> -> vector<3072x128xf32>
      %mul3A_152 = arith.mulf %dot_general3A_151, %mul3A_139 : vector<3072x128xf32>
      %reshape3A_153 = vector.shape_cast %mul3A_152 : vector<3072x128xf32> to vector<64x48x128xf32>
      %reduce_sum3A_154 = arith.constant dense<0.000000e+00> : vector<64x128xf32>
      %reduce_sum3A_155 = vector.multi_reduction <add>, %reshape3A_153, %reduce_sum3A_154 [1] : vector<64x48x128xf32> to vector<64x128xf32>
      %convert_element_type3A_156 = arith.truncf %reduce_sum3A_155 : vector<64x128xf32> to vector<64x128xbf16>
      %get3A_157 = arith.constant 0 : index
      %get3A_158 = arith.constant 0 : index
      %get3A_159 = arith.constant 0 : index
      %get3A_160 = vector.load %arg14[%get3A_157, %get3A_158, %get3A_159] : memref<2x128x32xbf16, #tpu.memory_space<vmem>>, vector<2x128x32xbf16>
      %slice3A_161 = vector.extract_strided_slice %get3A_160 {offsets = [0, 0, 0], sizes = [1, 128, 32], strides = [1, 1, 1]} : vector<2x128x32xbf16> to vector<1x128x32xbf16>
      %squeeze3A_162 = vector.shape_cast %slice3A_161 : vector<1x128x32xbf16> to vector<128x32xbf16>
      %dot_general3A_163 = arith.constant dense<0.000000e+00> : vector<64x32xf32>
      %dot_general3A_164 = tpu.matmul %convert_element_type3A_156, %squeeze3A_162, %dot_general3A_163 {dimension_numbers = #tpu.dot_dimension_numbers<[1], [0], [0], [1], [0, 0, 1, 1], [], []>, transpose_lhs_hint = false} : vector<64x128xbf16>, vector<128x32xbf16>, vector<64x32xf32> -> vector<64x32xf32>
      %get3A_165 = arith.constant 0 : index
      %get3A_166 = arith.constant 0 : index
      %get3A_167 = vector.load %arg15[%get3A_165, %get3A_166] : memref<2x32xf32, #tpu.memory_space<vmem>>, vector<2x32xf32>
      %slice3A_168 = vector.extract_strided_slice %get3A_167 {offsets = [0, 0], sizes = [1, 32], strides = [1, 1]} : vector<2x32xf32> to vector<1x32xf32>
      %squeeze3A_169 = vector.shape_cast %slice3A_168 : vector<1x32xf32> to vector<32xf32>
      %broadcast_in_dim3A_170 = vector.shape_cast %squeeze3A_169 : vector<32xf32> to vector<1x32xf32>
      %add3A_171 = vector.broadcast %broadcast_in_dim3A_170 : vector<1x32xf32> to vector<64x32xf32>
      %add3A_172 = arith.addf %dot_general3A_164, %add3A_171 : vector<64x32xf32>
      %neg3A_173 = arith.constant 0.000000e+00 : f32
      %neg3A_174 = vector.broadcast %neg3A_173 : f32 to vector<64x32xf32>
      %neg3A_175 = arith.subf %neg3A_174, %add3A_172 : vector<64x32xf32>
      %min3A_176 = arith.minimumf %add3A_172, %neg3A_175 : vector<64x32xf32>
      %exp23A_177 = math.exp2 %min3A_176 : vector<64x32xf32>
      %max3A_178 = arith.constant 0.000000e+00 : f32
      %max3A_179 = vector.broadcast %max3A_178 : f32 to vector<64x32xf32>
      %max3A_180 = arith.maximumf %neg3A_175, %max3A_179 : vector<64x32xf32>
      %add3A_181 = arith.constant 1.000000e+00 : f32
      %add3A_182 = vector.broadcast %add3A_181 : f32 to vector<64x32xf32>
      %add3A_183 = arith.addf %add3A_182, %exp23A_177 : vector<64x32xf32>
      %log3A_184 = math.log %add3A_183 : vector<64x32xf32>
      %log3A_185 = arith.constant 2.000000e+00 : f32
      %log3A_186 = math.log %log3A_185 : f32
      %div3A_187 = vector.broadcast %log3A_186 : f32 to vector<64x32xf32>
      %div3A_188 = arith.divf %log3A_184, %div3A_187 : vector<64x32xf32>
      %add3A_189 = arith.addf %max3A_180, %div3A_188 : vector<64x32xf32>
      %convert_element_type3A_190 = arith.truncf %add3A_189 : vector<64x32xf32> to vector<64x32xbf16>
      %get3A_191 = arith.constant 0 : index
      %get3A_192 = arith.constant 0 : index
      %get3A_193 = arith.constant 0 : index
      %get3A_194 = vector.load %arg16[%get3A_191, %get3A_192, %get3A_193] : memref<2x32x32xbf16, #tpu.memory_space<vmem>>, vector<2x32x32xbf16>
      %slice3A_195 = vector.extract_strided_slice %get3A_194 {offsets = [0, 0, 0], sizes = [1, 32, 32], strides = [1, 1, 1]} : vector<2x32x32xbf16> to vector<1x32x32xbf16>
      %squeeze3A_196 = vector.shape_cast %slice3A_195 : vector<1x32x32xbf16> to vector<32x32xbf16>
      %dot_general3A_197 = arith.constant dense<0.000000e+00> : vector<64x32xf32>
      %dot_general3A_198 = tpu.matmul %convert_element_type3A_190, %squeeze3A_196, %dot_general3A_197 {dimension_numbers = #tpu.dot_dimension_numbers<[1], [0], [0], [1], [0, 0, 1, 1], [], []>, transpose_lhs_hint = false} : vector<64x32xbf16>, vector<32x32xbf16>, vector<64x32xf32> -> vector<64x32xf32>
      %add3A_199 = arith.addf %dot_general3A_22, %dot_general3A_198 : vector<64x32xf32>
      %get3A_200 = arith.constant 0 : index
      %get3A_201 = arith.constant 0 : index
      %get3A_202 = vector.load %arg17[%get3A_200, %get3A_201] : memref<2x32xf32, #tpu.memory_space<vmem>>, vector<2x32xf32>
      %slice3A_203 = vector.extract_strided_slice %get3A_202 {offsets = [0, 0], sizes = [1, 32], strides = [1, 1]} : vector<2x32xf32> to vector<1x32xf32>
      %squeeze3A_204 = vector.shape_cast %slice3A_203 : vector<1x32xf32> to vector<32xf32>
      %broadcast_in_dim3A_205 = vector.shape_cast %squeeze3A_204 : vector<32xf32> to vector<1x32xf32>
      %add3A_206 = vector.broadcast %broadcast_in_dim3A_205 : vector<1x32xf32> to vector<64x32xf32>
      %add3A_207 = arith.addf %add3A_199, %add3A_206 : vector<64x32xf32>
      %get3A_208 = arith.constant 0 : index
      %get3A_209 = arith.constant 0 : index
      %get3A_210 = arith.constant 0 : index
      %get3A_211 = vector.load %arg9[%get3A_208, %get3A_209, %get3A_210] : memref<2x50x128xbf16, #tpu.memory_space<vmem>>, vector<2x50x128xbf16>
      %slice3A_212 = vector.extract_strided_slice %get3A_211 {offsets = [1, 0, 0], sizes = [1, 50, 128], strides = [1, 1, 1]} : vector<2x50x128xbf16> to vector<1x50x128xbf16>
      %squeeze3A_213 = vector.shape_cast %slice3A_212 : vector<1x50x128xbf16> to vector<50x128xbf16>
      %get3A_214 = arith.constant 0 : index
      %get3A_215 = arith.constant 0 : index
      %get3A_216 = vector.load %arg10[%get3A_214, %get3A_215] : memref<2x128xf32, #tpu.memory_space<vmem>>, vector<2x128xf32>
      %slice3A_217 = vector.extract_strided_slice %get3A_216 {offsets = [1, 0], sizes = [1, 128], strides = [1, 1]} : vector<2x128xf32> to vector<1x128xf32>
      %squeeze3A_218 = vector.shape_cast %slice3A_217 : vector<1x128xf32> to vector<128xf32>
      %get3A_219 = arith.constant 0 : index
      %get3A_220 = arith.constant 0 : index
      %get3A_221 = arith.constant 0 : index
      %get3A_222 = vector.load %arg11[%get3A_219, %get3A_220, %get3A_221] : memref<2x128x128xbf16, #tpu.memory_space<vmem>>, vector<2x128x128xbf16>
      %slice3A_223 = vector.extract_strided_slice %get3A_222 {offsets = [1, 0, 0], sizes = [1, 128, 128], strides = [1, 1, 1]} : vector<2x128x128xbf16> to vector<1x128x128xbf16>
      %squeeze3A_224 = vector.shape_cast %slice3A_223 : vector<1x128x128xbf16> to vector<128x128xbf16>
      %get3A_225 = arith.constant 0 : index
      %get3A_226 = arith.constant 0 : index
      %get3A_227 = vector.load %arg12[%get3A_225, %get3A_226] : memref<2x128xf32, #tpu.memory_space<vmem>>, vector<2x128xf32>
      %slice3A_228 = vector.extract_strided_slice %get3A_227 {offsets = [1, 0], sizes = [1, 128], strides = [1, 1]} : vector<2x128xf32> to vector<1x128xf32>
      %squeeze3A_229 = vector.shape_cast %slice3A_228 : vector<1x128xf32> to vector<128xf32>
      %dot_general3A_230 = arith.constant dense<0.000000e+00> : vector<3072x128xf32>
      %dot_general3A_231 = tpu.matmul %convert_element_type3A_92, %squeeze3A_213, %dot_general3A_230 {dimension_numbers = #tpu.dot_dimension_numbers<[1], [0], [0], [1], [0, 0, 1, 1], [], []>, transpose_lhs_hint = false} : vector<3072x50xbf16>, vector<50x128xbf16>, vector<3072x128xf32> -> vector<3072x128xf32>
      %broadcast_in_dim3A_232 = vector.shape_cast %squeeze3A_218 : vector<128xf32> to vector<1x128xf32>
      %add3A_233 = vector.broadcast %broadcast_in_dim3A_232 : vector<1x128xf32> to vector<3072x128xf32>
      %add3A_234 = arith.addf %dot_general3A_231, %add3A_233 : vector<3072x128xf32>
      %neg3A_235 = arith.constant 0.000000e+00 : f32
      %neg3A_236 = vector.broadcast %neg3A_235 : f32 to vector<3072x128xf32>
      %neg3A_237 = arith.subf %neg3A_236, %add3A_234 : vector<3072x128xf32>
      %min3A_238 = arith.minimumf %add3A_234, %neg3A_237 : vector<3072x128xf32>
      %exp23A_239 = math.exp2 %min3A_238 : vector<3072x128xf32>
      %max3A_240 = arith.constant 0.000000e+00 : f32
      %max3A_241 = vector.broadcast %max3A_240 : f32 to vector<3072x128xf32>
      %max3A_242 = arith.maximumf %neg3A_237, %max3A_241 : vector<3072x128xf32>
      %add3A_243 = arith.constant 1.000000e+00 : f32
      %add3A_244 = vector.broadcast %add3A_243 : f32 to vector<3072x128xf32>
      %add3A_245 = arith.addf %add3A_244, %exp23A_239 : vector<3072x128xf32>
      %log3A_246 = math.log %add3A_245 : vector<3072x128xf32>
      %log3A_247 = arith.constant 2.000000e+00 : f32
      %log3A_248 = math.log %log3A_247 : f32
      %div3A_249 = vector.broadcast %log3A_248 : f32 to vector<3072x128xf32>
      %div3A_250 = arith.divf %log3A_246, %div3A_249 : vector<3072x128xf32>
      %add3A_251 = arith.addf %max3A_242, %div3A_250 : vector<3072x128xf32>
      %convert_element_type3A_252 = arith.truncf %add3A_251 : vector<3072x128xf32> to vector<3072x128xbf16>
      %dot_general3A_253 = arith.constant dense<0.000000e+00> : vector<3072x128xf32>
      %dot_general3A_254 = tpu.matmul %convert_element_type3A_252, %squeeze3A_224, %dot_general3A_253 {dimension_numbers = #tpu.dot_dimension_numbers<[1], [0], [0], [1], [0, 0, 1, 1], [], []>, transpose_lhs_hint = false} : vector<3072x128xbf16>, vector<128x128xbf16>, vector<3072x128xf32> -> vector<3072x128xf32>
      %broadcast_in_dim3A_255 = vector.shape_cast %squeeze3A_229 : vector<128xf32> to vector<1x128xf32>
      %add3A_256 = vector.broadcast %broadcast_in_dim3A_255 : vector<1x128xf32> to vector<3072x128xf32>
      %add3A_257 = arith.addf %dot_general3A_254, %add3A_256 : vector<3072x128xf32>
      %mul3A_258 = vector.broadcast %convert_element_type3A_76 : vector<3072x1xf32> to vector<3072x128xf32>
      %mul3A_259 = arith.mulf %add3A_257, %mul3A_258 : vector<3072x128xf32>
      %convert_element_type3A_260 = arith.truncf %add3A_207 : vector<64x32xf32> to vector<64x32xbf16>
      %get3A_261 = arith.constant 0 : index
      %get3A_262 = arith.constant 0 : index
      %get3A_263 = arith.constant 0 : index
      %get3A_264 = vector.load %arg13[%get3A_261, %get3A_262, %get3A_263] : memref<2x32x128xbf16, #tpu.memory_space<vmem>>, vector<2x32x128xbf16>
      %slice3A_265 = vector.extract_strided_slice %get3A_264 {offsets = [1, 0, 0], sizes = [1, 32, 128], strides = [1, 1, 1]} : vector<2x32x128xbf16> to vector<1x32x128xbf16>
      %squeeze3A_266 = vector.shape_cast %slice3A_265 : vector<1x32x128xbf16> to vector<32x128xbf16>
      %dot_general3A_267 = arith.constant dense<0.000000e+00> : vector<64x128xf32>
      %dot_general3A_268 = tpu.matmul %convert_element_type3A_260, %squeeze3A_266, %dot_general3A_267 {dimension_numbers = #tpu.dot_dimension_numbers<[1], [0], [0], [1], [0, 0, 1, 1], [], []>, transpose_lhs_hint = false} : vector<64x32xbf16>, vector<32x128xbf16>, vector<64x128xf32> -> vector<64x128xf32>
      %convert_element_type3A_269 = arith.truncf %dot_general3A_268 : vector<64x128xf32> to vector<64x128xbf16>
      %dot_general3A_270 = arith.constant dense<0.000000e+00> : vector<3072x128xf32>
      %dot_general3A_271 = tpu.matmul %convert_element_type3A_39, %convert_element_type3A_269, %dot_general3A_270 {dimension_numbers = #tpu.dot_dimension_numbers<[1], [0], [0], [1], [0, 0, 1, 1], [], []>, transpose_lhs_hint = false} : vector<3072x64xbf16>, vector<64x128xbf16>, vector<3072x128xf32> -> vector<3072x128xf32>
      %mul3A_272 = arith.mulf %dot_general3A_271, %mul3A_259 : vector<3072x128xf32>
      %reshape3A_273 = vector.shape_cast %mul3A_272 : vector<3072x128xf32> to vector<64x48x128xf32>
      %reduce_sum3A_274 = arith.constant dense<0.000000e+00> : vector<64x128xf32>
      %reduce_sum3A_275 = vector.multi_reduction <add>, %reshape3A_273, %reduce_sum3A_274 [1] : vector<64x48x128xf32> to vector<64x128xf32>
      %convert_element_type3A_276 = arith.truncf %reduce_sum3A_275 : vector<64x128xf32> to vector<64x128xbf16>
      %get3A_277 = arith.constant 0 : index
      %get3A_278 = arith.constant 0 : index
      %get3A_279 = arith.constant 0 : index
      %get3A_280 = vector.load %arg14[%get3A_277, %get3A_278, %get3A_279] : memref<2x128x32xbf16, #tpu.memory_space<vmem>>, vector<2x128x32xbf16>
      %slice3A_281 = vector.extract_strided_slice %get3A_280 {offsets = [1, 0, 0], sizes = [1, 128, 32], strides = [1, 1, 1]} : vector<2x128x32xbf16> to vector<1x128x32xbf16>
      %squeeze3A_282 = vector.shape_cast %slice3A_281 : vector<1x128x32xbf16> to vector<128x32xbf16>
      %dot_general3A_283 = arith.constant dense<0.000000e+00> : vector<64x32xf32>
      %dot_general3A_284 = tpu.matmul %convert_element_type3A_276, %squeeze3A_282, %dot_general3A_283 {dimension_numbers = #tpu.dot_dimension_numbers<[1], [0], [0], [1], [0, 0, 1, 1], [], []>, transpose_lhs_hint = false} : vector<64x128xbf16>, vector<128x32xbf16>, vector<64x32xf32> -> vector<64x32xf32>
      %get3A_285 = arith.constant 0 : index
      %get3A_286 = arith.constant 0 : index
      %get3A_287 = vector.load %arg15[%get3A_285, %get3A_286] : memref<2x32xf32, #tpu.memory_space<vmem>>, vector<2x32xf32>
      %slice3A_288 = vector.extract_strided_slice %get3A_287 {offsets = [1, 0], sizes = [1, 32], strides = [1, 1]} : vector<2x32xf32> to vector<1x32xf32>
      %squeeze3A_289 = vector.shape_cast %slice3A_288 : vector<1x32xf32> to vector<32xf32>
      %broadcast_in_dim3A_290 = vector.shape_cast %squeeze3A_289 : vector<32xf32> to vector<1x32xf32>
      %add3A_291 = vector.broadcast %broadcast_in_dim3A_290 : vector<1x32xf32> to vector<64x32xf32>
      %add3A_292 = arith.addf %dot_general3A_284, %add3A_291 : vector<64x32xf32>
      %neg3A_293 = arith.constant 0.000000e+00 : f32
      %neg3A_294 = vector.broadcast %neg3A_293 : f32 to vector<64x32xf32>
      %neg3A_295 = arith.subf %neg3A_294, %add3A_292 : vector<64x32xf32>
      %min3A_296 = arith.minimumf %add3A_292, %neg3A_295 : vector<64x32xf32>
      %exp23A_297 = math.exp2 %min3A_296 : vector<64x32xf32>
      %max3A_298 = arith.constant 0.000000e+00 : f32
      %max3A_299 = vector.broadcast %max3A_298 : f32 to vector<64x32xf32>
      %max3A_300 = arith.maximumf %neg3A_295, %max3A_299 : vector<64x32xf32>
      %add3A_301 = arith.constant 1.000000e+00 : f32
      %add3A_302 = vector.broadcast %add3A_301 : f32 to vector<64x32xf32>
      %add3A_303 = arith.addf %add3A_302, %exp23A_297 : vector<64x32xf32>
      %log3A_304 = math.log %add3A_303 : vector<64x32xf32>
      %log3A_305 = arith.constant 2.000000e+00 : f32
      %log3A_306 = math.log %log3A_305 : f32
      %div3A_307 = vector.broadcast %log3A_306 : f32 to vector<64x32xf32>
      %div3A_308 = arith.divf %log3A_304, %div3A_307 : vector<64x32xf32>
      %add3A_309 = arith.addf %max3A_300, %div3A_308 : vector<64x32xf32>
      %convert_element_type3A_310 = arith.truncf %add3A_309 : vector<64x32xf32> to vector<64x32xbf16>
      %get3A_311 = arith.constant 0 : index
      %get3A_312 = arith.constant 0 : index
      %get3A_313 = arith.constant 0 : index
      %get3A_314 = vector.load %arg16[%get3A_311, %get3A_312, %get3A_313] : memref<2x32x32xbf16, #tpu.memory_space<vmem>>, vector<2x32x32xbf16>
      %slice3A_315 = vector.extract_strided_slice %get3A_314 {offsets = [1, 0, 0], sizes = [1, 32, 32], strides = [1, 1, 1]} : vector<2x32x32xbf16> to vector<1x32x32xbf16>
      %squeeze3A_316 = vector.shape_cast %slice3A_315 : vector<1x32x32xbf16> to vector<32x32xbf16>
      %dot_general3A_317 = arith.constant dense<0.000000e+00> : vector<64x32xf32>
      %dot_general3A_318 = tpu.matmul %convert_element_type3A_310, %squeeze3A_316, %dot_general3A_317 {dimension_numbers = #tpu.dot_dimension_numbers<[1], [0], [0], [1], [0, 0, 1, 1], [], []>, transpose_lhs_hint = false} : vector<64x32xbf16>, vector<32x32xbf16>, vector<64x32xf32> -> vector<64x32xf32>
      %add3A_319 = arith.addf %add3A_207, %dot_general3A_318 : vector<64x32xf32>
      %get3A_320 = arith.constant 0 : index
      %get3A_321 = arith.constant 0 : index
      %get3A_322 = vector.load %arg17[%get3A_320, %get3A_321] : memref<2x32xf32, #tpu.memory_space<vmem>>, vector<2x32xf32>
      %slice3A_323 = vector.extract_strided_slice %get3A_322 {offsets = [1, 0], sizes = [1, 32], strides = [1, 1]} : vector<2x32xf32> to vector<1x32xf32>
      %squeeze3A_324 = vector.shape_cast %slice3A_323 : vector<1x32xf32> to vector<32xf32>
      %broadcast_in_dim3A_325 = vector.shape_cast %squeeze3A_324 : vector<32xf32> to vector<1x32xf32>
      %add3A_326 = vector.broadcast %broadcast_in_dim3A_325 : vector<1x32xf32> to vector<64x32xf32>
      %add3A_327 = arith.addf %add3A_319, %add3A_326 : vector<64x32xf32>
      %get3A_328 = arith.constant 0 : index
      %get3A_329 = arith.constant 0 : index
      %get3A_330 = vector.load %arg29[%get3A_328, %get3A_329] : memref<128x128xbf16, #tpu.memory_space<vmem>>, vector<128x128xbf16>
      %get3A_331 = arith.constant 0 : index
      %get3A_332 = vector.load %arg30[%get3A_331] : memref<128xf32, #tpu.memory_space<vmem>>, vector<128xf32>
      %get3A_333 = arith.constant 0 : index
      %get3A_334 = arith.constant 0 : index
      %get3A_335 = vector.load %arg31[%get3A_333, %get3A_334] : memref<128x32xbf16, #tpu.memory_space<vmem>>, vector<128x32xbf16>
      %get3A_336 = arith.constant 0 : index
      %get3A_337 = vector.load %arg32[%get3A_336] : memref<32xf32, #tpu.memory_space<vmem>>, vector<32xf32>
      %get3A_338 = arith.constant 0 : index
      %get3A_339 = arith.constant 0 : index
      %get3A_340 = vector.load %arg22[%get3A_338, %get3A_339] : memref<32x128xbf16, #tpu.memory_space<vmem>>, vector<32x128xbf16>
      %get3A_341 = arith.constant 0 : index
      %get3A_342 = arith.constant 0 : index
      %get3A_343 = vector.load %arg23[%get3A_341, %get3A_342] : memref<128x128xbf16, #tpu.memory_space<vmem>>, vector<128x128xbf16>
      %get3A_344 = arith.constant 0 : index
      %get3A_345 = vector.load %arg24[%get3A_344] : memref<128xf32, #tpu.memory_space<vmem>>, vector<128xf32>
      %get3A_346 = arith.constant 0 : index
      %get3A_347 = arith.constant 0 : index
      %get3A_348 = vector.load %arg25[%get3A_346, %get3A_347] : memref<128x128xbf16, #tpu.memory_space<vmem>>, vector<128x128xbf16>
      %get3A_349 = arith.constant 0 : index
      %get3A_350 = vector.load %arg26[%get3A_349] : memref<128xf32, #tpu.memory_space<vmem>>, vector<128xf32>
      %get3A_351 = arith.constant 0 : index
      %get3A_352 = arith.constant 0 : index
      %get3A_353 = vector.load %arg27[%get3A_351, %get3A_352] : memref<128x32xbf16, #tpu.memory_space<vmem>>, vector<128x32xbf16>
      %get3A_354 = arith.constant 0 : index
      %get3A_355 = vector.load %arg28[%get3A_354] : memref<32xf32, #tpu.memory_space<vmem>>, vector<32xf32>
      %get3A_356 = arith.constant 0 : index
      %get3A_357 = arith.constant 0 : index
      %get3A_358 = vector.load %arg33[%get3A_356, %get3A_357] : memref<128x128xbf16, #tpu.memory_space<vmem>>, vector<128x128xbf16>
      %get3A_359 = arith.constant 0 : index
      %get3A_360 = vector.load %arg34[%get3A_359] : memref<128xf32, #tpu.memory_space<vmem>>, vector<128xf32>
      %get3A_361 = arith.constant 0 : index
      %get3A_362 = arith.constant 0 : index
      %get3A_363 = vector.load %arg35[%get3A_361, %get3A_362] : memref<128x32xbf16, #tpu.memory_space<vmem>>, vector<128x32xbf16>
      %get3A_364 = arith.constant 0 : index
      %get3A_365 = vector.load %arg36[%get3A_364] : memref<32xf32, #tpu.memory_space<vmem>>, vector<32xf32>
      %get3A_366 = arith.constant 0 : index
      %get3A_367 = arith.constant 0 : index
      %get3A_368 = vector.load %arg18[%get3A_366, %get3A_367] : memref<50x128xbf16, #tpu.memory_space<vmem>>, vector<50x128xbf16>
      %get3A_369 = arith.constant 0 : index
      %get3A_370 = vector.load %arg19[%get3A_369] : memref<128xf32, #tpu.memory_space<vmem>>, vector<128xf32>
      %get3A_371 = arith.constant 0 : index
      %get3A_372 = arith.constant 0 : index
      %get3A_373 = vector.load %arg20[%get3A_371, %get3A_372] : memref<128x128xbf16, #tpu.memory_space<vmem>>, vector<128x128xbf16>
      %get3A_374 = arith.constant 0 : index
      %get3A_375 = vector.load %arg21[%get3A_374] : memref<128xf32, #tpu.memory_space<vmem>>, vector<128xf32>
      %dot_general3A_376 = arith.constant dense<0.000000e+00> : vector<3072x128xf32>
      %dot_general3A_377 = tpu.matmul %convert_element_type3A_92, %get3A_368, %dot_general3A_376 {dimension_numbers = #tpu.dot_dimension_numbers<[1], [0], [0], [1], [0, 0, 1, 1], [], []>, transpose_lhs_hint = false} : vector<3072x50xbf16>, vector<50x128xbf16>, vector<3072x128xf32> -> vector<3072x128xf32>
      %broadcast_in_dim3A_378 = vector.shape_cast %get3A_370 : vector<128xf32> to vector<1x128xf32>
      %add3A_379 = vector.broadcast %broadcast_in_dim3A_378 : vector<1x128xf32> to vector<3072x128xf32>
      %add3A_380 = arith.addf %dot_general3A_377, %add3A_379 : vector<3072x128xf32>
      %neg3A_381 = arith.constant 0.000000e+00 : f32
      %neg3A_382 = vector.broadcast %neg3A_381 : f32 to vector<3072x128xf32>
      %neg3A_383 = arith.subf %neg3A_382, %add3A_380 : vector<3072x128xf32>
      %min3A_384 = arith.minimumf %add3A_380, %neg3A_383 : vector<3072x128xf32>
      %exp23A_385 = math.exp2 %min3A_384 : vector<3072x128xf32>
      %max3A_386 = arith.constant 0.000000e+00 : f32
      %max3A_387 = vector.broadcast %max3A_386 : f32 to vector<3072x128xf32>
      %max3A_388 = arith.maximumf %neg3A_383, %max3A_387 : vector<3072x128xf32>
      %add3A_389 = arith.constant 1.000000e+00 : f32
      %add3A_390 = vector.broadcast %add3A_389 : f32 to vector<3072x128xf32>
      %add3A_391 = arith.addf %add3A_390, %exp23A_385 : vector<3072x128xf32>
      %log3A_392 = math.log %add3A_391 : vector<3072x128xf32>
      %log3A_393 = arith.constant 2.000000e+00 : f32
      %log3A_394 = math.log %log3A_393 : f32
      %div3A_395 = vector.broadcast %log3A_394 : f32 to vector<3072x128xf32>
      %div3A_396 = arith.divf %log3A_392, %div3A_395 : vector<3072x128xf32>
      %add3A_397 = arith.addf %max3A_388, %div3A_396 : vector<3072x128xf32>
      %convert_element_type3A_398 = arith.truncf %add3A_397 : vector<3072x128xf32> to vector<3072x128xbf16>
      %dot_general3A_399 = arith.constant dense<0.000000e+00> : vector<3072x128xf32>
      %dot_general3A_400 = tpu.matmul %convert_element_type3A_398, %get3A_373, %dot_general3A_399 {dimension_numbers = #tpu.dot_dimension_numbers<[1], [0], [0], [1], [0, 0, 1, 1], [], []>, transpose_lhs_hint = false} : vector<3072x128xbf16>, vector<128x128xbf16>, vector<3072x128xf32> -> vector<3072x128xf32>
      %broadcast_in_dim3A_401 = vector.shape_cast %get3A_375 : vector<128xf32> to vector<1x128xf32>
      %add3A_402 = vector.broadcast %broadcast_in_dim3A_401 : vector<1x128xf32> to vector<3072x128xf32>
      %add3A_403 = arith.addf %dot_general3A_400, %add3A_402 : vector<3072x128xf32>
      %mul3A_404 = vector.broadcast %convert_element_type3A_76 : vector<3072x1xf32> to vector<3072x128xf32>
      %mul3A_405 = arith.mulf %add3A_403, %mul3A_404 : vector<3072x128xf32>
      %convert_element_type3A_406 = arith.truncf %add3A_327 : vector<64x32xf32> to vector<64x32xbf16>
      %dot_general3A_407 = arith.constant dense<0.000000e+00> : vector<64x128xf32>
      %dot_general3A_408 = tpu.matmul %convert_element_type3A_406, %get3A_340, %dot_general3A_407 {dimension_numbers = #tpu.dot_dimension_numbers<[1], [0], [0], [1], [0, 0, 1, 1], [], []>, transpose_lhs_hint = false} : vector<64x32xbf16>, vector<32x128xbf16>, vector<64x128xf32> -> vector<64x128xf32>
      %convert_element_type3A_409 = arith.truncf %dot_general3A_408 : vector<64x128xf32> to vector<64x128xbf16>
      %dot_general3A_410 = arith.constant dense<0.000000e+00> : vector<3072x128xf32>
      %dot_general3A_411 = tpu.matmul %convert_element_type3A_39, %convert_element_type3A_409, %dot_general3A_410 {dimension_numbers = #tpu.dot_dimension_numbers<[1], [0], [0], [1], [0, 0, 1, 1], [], []>, transpose_lhs_hint = false} : vector<3072x64xbf16>, vector<64x128xbf16>, vector<3072x128xf32> -> vector<3072x128xf32>
      %reshape3A_412 = vector.shape_cast %dot_general3A_411 : vector<3072x128xf32> to vector<64x48x128xf32>
      %broadcast_in_dim3A_413 = vector.shape_cast %dot_general3A_408 : vector<64x128xf32> to vector<64x1x128xf32>
      %mul3A_414 = vector.broadcast %broadcast_in_dim3A_413 : vector<64x1x128xf32> to vector<64x48x128xf32>
      %mul3A_415 = arith.mulf %reshape3A_412, %mul3A_414 : vector<64x48x128xf32>
      %reshape3A_416 = vector.shape_cast %mul3A_415 : vector<64x48x128xf32> to vector<3072x128xf32>
      %mul3A_417 = arith.mulf %reshape3A_416, %mul3A_405 : vector<3072x128xf32>
      %convert_element_type3A_418 = arith.truncf %mul3A_417 : vector<3072x128xf32> to vector<3072x128xbf16>
      %dot_general3A_419 = arith.constant dense<0.000000e+00> : vector<3072x128xf32>
      %dot_general3A_420 = tpu.matmul %convert_element_type3A_418, %get3A_343, %dot_general3A_419 {dimension_numbers = #tpu.dot_dimension_numbers<[1], [0], [0], [1], [0, 0, 1, 1], [], []>, transpose_lhs_hint = false} : vector<3072x128xbf16>, vector<128x128xbf16>, vector<3072x128xf32> -> vector<3072x128xf32>
      %broadcast_in_dim3A_421 = vector.shape_cast %get3A_345 : vector<128xf32> to vector<1x128xf32>
      %add3A_422 = vector.broadcast %broadcast_in_dim3A_421 : vector<1x128xf32> to vector<3072x128xf32>
      %add3A_423 = arith.addf %dot_general3A_420, %add3A_422 : vector<3072x128xf32>
      %neg3A_424 = arith.constant 0.000000e+00 : f32
      %neg3A_425 = vector.broadcast %neg3A_424 : f32 to vector<3072x128xf32>
      %neg3A_426 = arith.subf %neg3A_425, %add3A_423 : vector<3072x128xf32>
      %min3A_427 = arith.minimumf %add3A_423, %neg3A_426 : vector<3072x128xf32>
      %exp23A_428 = math.exp2 %min3A_427 : vector<3072x128xf32>
      %max3A_429 = arith.constant 0.000000e+00 : f32
      %max3A_430 = vector.broadcast %max3A_429 : f32 to vector<3072x128xf32>
      %max3A_431 = arith.maximumf %neg3A_426, %max3A_430 : vector<3072x128xf32>
      %add3A_432 = arith.constant 1.000000e+00 : f32
      %add3A_433 = vector.broadcast %add3A_432 : f32 to vector<3072x128xf32>
      %add3A_434 = arith.addf %add3A_433, %exp23A_428 : vector<3072x128xf32>
      %log3A_435 = math.log %add3A_434 : vector<3072x128xf32>
      %log3A_436 = arith.constant 2.000000e+00 : f32
      %log3A_437 = math.log %log3A_436 : f32
      %div3A_438 = vector.broadcast %log3A_437 : f32 to vector<3072x128xf32>
      %div3A_439 = arith.divf %log3A_435, %div3A_438 : vector<3072x128xf32>
      %add3A_440 = arith.addf %max3A_431, %div3A_439 : vector<3072x128xf32>
      %convert_element_type3A_441 = arith.truncf %add3A_440 : vector<3072x128xf32> to vector<3072x128xbf16>
      %reshape3A_442 = vector.shape_cast %add3A_440 : vector<3072x128xf32> to vector<64x48x128xf32>
      %reduce_sum3A_443 = arith.constant dense<0.000000e+00> : vector<64x128xf32>
      %reduce_sum3A_444 = vector.multi_reduction <add>, %reshape3A_442, %reduce_sum3A_443 [1] : vector<64x48x128xf32> to vector<64x128xf32>
      %convert_element_type3A_445 = arith.truncf %reduce_sum3A_444 : vector<64x128xf32> to vector<64x128xbf16>
      %dot_general3A_446 = arith.constant dense<0.000000e+00> : vector<64x128xf32>
      %dot_general3A_447 = tpu.matmul %convert_element_type3A_445, %get3A_348, %dot_general3A_446 {dimension_numbers = #tpu.dot_dimension_numbers<[1], [0], [0], [1], [0, 0, 1, 1], [], []>, transpose_lhs_hint = false} : vector<64x128xbf16>, vector<128x128xbf16>, vector<64x128xf32> -> vector<64x128xf32>
      %broadcast_in_dim3A_448 = vector.shape_cast %get3A_350 : vector<128xf32> to vector<1x128xf32>
      %add3A_449 = vector.broadcast %broadcast_in_dim3A_448 : vector<1x128xf32> to vector<64x128xf32>
      %add3A_450 = arith.addf %dot_general3A_447, %add3A_449 : vector<64x128xf32>
      %neg3A_451 = arith.constant 0.000000e+00 : f32
      %neg3A_452 = vector.broadcast %neg3A_451 : f32 to vector<64x128xf32>
      %neg3A_453 = arith.subf %neg3A_452, %add3A_450 : vector<64x128xf32>
      %min3A_454 = arith.minimumf %add3A_450, %neg3A_453 : vector<64x128xf32>
      %exp23A_455 = math.exp2 %min3A_454 : vector<64x128xf32>
      %max3A_456 = arith.constant 0.000000e+00 : f32
      %max3A_457 = vector.broadcast %max3A_456 : f32 to vector<64x128xf32>
      %max3A_458 = arith.maximumf %neg3A_453, %max3A_457 : vector<64x128xf32>
      %add3A_459 = arith.constant 1.000000e+00 : f32
      %add3A_460 = vector.broadcast %add3A_459 : f32 to vector<64x128xf32>
      %add3A_461 = arith.addf %add3A_460, %exp23A_455 : vector<64x128xf32>
      %log3A_462 = math.log %add3A_461 : vector<64x128xf32>
      %log3A_463 = arith.constant 2.000000e+00 : f32
      %log3A_464 = math.log %log3A_463 : f32
      %div3A_465 = vector.broadcast %log3A_464 : f32 to vector<64x128xf32>
      %div3A_466 = arith.divf %log3A_462, %div3A_465 : vector<64x128xf32>
      %add3A_467 = arith.addf %max3A_458, %div3A_466 : vector<64x128xf32>
      %convert_element_type3A_468 = arith.truncf %add3A_467 : vector<64x128xf32> to vector<64x128xbf16>
      %dot_general3A_469 = arith.constant dense<0.000000e+00> : vector<64x32xf32>
      %dot_general3A_470 = tpu.matmul %convert_element_type3A_468, %get3A_353, %dot_general3A_469 {dimension_numbers = #tpu.dot_dimension_numbers<[1], [0], [0], [1], [0, 0, 1, 1], [], []>, transpose_lhs_hint = false} : vector<64x128xbf16>, vector<128x32xbf16>, vector<64x32xf32> -> vector<64x32xf32>
      %broadcast_in_dim3A_471 = vector.shape_cast %get3A_355 : vector<32xf32> to vector<1x32xf32>
      %add3A_472 = vector.broadcast %broadcast_in_dim3A_471 : vector<1x32xf32> to vector<64x32xf32>
      %add3A_473 = arith.addf %dot_general3A_470, %add3A_472 : vector<64x32xf32>
      %dot_general3A_474 = arith.constant dense<0.000000e+00> : vector<3072x128xf32>
      %dot_general3A_475 = tpu.matmul %convert_element_type3A_441, %get3A_330, %dot_general3A_474 {dimension_numbers = #tpu.dot_dimension_numbers<[1], [0], [0], [1], [0, 0, 1, 1], [], []>, transpose_lhs_hint = false} : vector<3072x128xbf16>, vector<128x128xbf16>, vector<3072x128xf32> -> vector<3072x128xf32>
      %broadcast_in_dim3A_476 = vector.shape_cast %get3A_332 : vector<128xf32> to vector<1x128xf32>
      %add3A_477 = vector.broadcast %broadcast_in_dim3A_476 : vector<1x128xf32> to vector<3072x128xf32>
      %add3A_478 = arith.addf %dot_general3A_475, %add3A_477 : vector<3072x128xf32>
      %neg3A_479 = arith.constant 0.000000e+00 : f32
      %neg3A_480 = vector.broadcast %neg3A_479 : f32 to vector<3072x128xf32>
      %neg3A_481 = arith.subf %neg3A_480, %add3A_478 : vector<3072x128xf32>
      %min3A_482 = arith.minimumf %add3A_478, %neg3A_481 : vector<3072x128xf32>
      %exp23A_483 = math.exp2 %min3A_482 : vector<3072x128xf32>
      %max3A_484 = arith.constant 0.000000e+00 : f32
      %max3A_485 = vector.broadcast %max3A_484 : f32 to vector<3072x128xf32>
      %max3A_486 = arith.maximumf %neg3A_481, %max3A_485 : vector<3072x128xf32>
      %add3A_487 = arith.constant 1.000000e+00 : f32
      %add3A_488 = vector.broadcast %add3A_487 : f32 to vector<3072x128xf32>
      %add3A_489 = arith.addf %add3A_488, %exp23A_483 : vector<3072x128xf32>
      %log3A_490 = math.log %add3A_489 : vector<3072x128xf32>
      %log3A_491 = arith.constant 2.000000e+00 : f32
      %log3A_492 = math.log %log3A_491 : f32
      %div3A_493 = vector.broadcast %log3A_492 : f32 to vector<3072x128xf32>
      %div3A_494 = arith.divf %log3A_490, %div3A_493 : vector<3072x128xf32>
      %add3A_495 = arith.addf %max3A_486, %div3A_494 : vector<3072x128xf32>
      %convert_element_type3A_496 = arith.truncf %add3A_495 : vector<3072x128xf32> to vector<3072x128xbf16>
      %dot_general3A_497 = arith.constant dense<0.000000e+00> : vector<3072x32xf32>
      %dot_general3A_498 = tpu.matmul %convert_element_type3A_496, %get3A_335, %dot_general3A_497 {dimension_numbers = #tpu.dot_dimension_numbers<[1], [0], [0], [1], [0, 0, 1, 1], [], []>, transpose_lhs_hint = false} : vector<3072x128xbf16>, vector<128x32xbf16>, vector<3072x32xf32> -> vector<3072x32xf32>
      %broadcast_in_dim3A_499 = vector.shape_cast %get3A_337 : vector<32xf32> to vector<1x32xf32>
      %add3A_500 = vector.broadcast %broadcast_in_dim3A_499 : vector<1x32xf32> to vector<3072x32xf32>
      %add3A_501 = arith.addf %dot_general3A_498, %add3A_500 : vector<3072x32xf32>
      %dot_general3A_502 = arith.constant dense<0.000000e+00> : vector<3072x128xf32>
      %dot_general3A_503 = tpu.matmul %convert_element_type3A_441, %get3A_358, %dot_general3A_502 {dimension_numbers = #tpu.dot_dimension_numbers<[1], [0], [0], [1], [0, 0, 1, 1], [], []>, transpose_lhs_hint = false} : vector<3072x128xbf16>, vector<128x128xbf16>, vector<3072x128xf32> -> vector<3072x128xf32>
      %broadcast_in_dim3A_504 = vector.shape_cast %get3A_360 : vector<128xf32> to vector<1x128xf32>
      %add3A_505 = vector.broadcast %broadcast_in_dim3A_504 : vector<1x128xf32> to vector<3072x128xf32>
      %add3A_506 = arith.addf %dot_general3A_503, %add3A_505 : vector<3072x128xf32>
      %neg3A_507 = arith.constant 0.000000e+00 : f32
      %neg3A_508 = vector.broadcast %neg3A_507 : f32 to vector<3072x128xf32>
      %neg3A_509 = arith.subf %neg3A_508, %add3A_506 : vector<3072x128xf32>
      %min3A_510 = arith.minimumf %add3A_506, %neg3A_509 : vector<3072x128xf32>
      %exp23A_511 = math.exp2 %min3A_510 : vector<3072x128xf32>
      %max3A_512 = arith.constant 0.000000e+00 : f32
      %max3A_513 = vector.broadcast %max3A_512 : f32 to vector<3072x128xf32>
      %max3A_514 = arith.maximumf %neg3A_509, %max3A_513 : vector<3072x128xf32>
      %add3A_515 = arith.constant 1.000000e+00 : f32
      %add3A_516 = vector.broadcast %add3A_515 : f32 to vector<3072x128xf32>
      %add3A_517 = arith.addf %add3A_516, %exp23A_511 : vector<3072x128xf32>
      %log3A_518 = math.log %add3A_517 : vector<3072x128xf32>
      %log3A_519 = arith.constant 2.000000e+00 : f32
      %log3A_520 = math.log %log3A_519 : f32
      %div3A_521 = vector.broadcast %log3A_520 : f32 to vector<3072x128xf32>
      %div3A_522 = arith.divf %log3A_518, %div3A_521 : vector<3072x128xf32>
      %add3A_523 = arith.addf %max3A_514, %div3A_522 : vector<3072x128xf32>
      %convert_element_type3A_524 = arith.truncf %add3A_523 : vector<3072x128xf32> to vector<3072x128xbf16>
      %dot_general3A_525 = arith.constant dense<0.000000e+00> : vector<3072x32xf32>
      %dot_general3A_526 = tpu.matmul %convert_element_type3A_524, %get3A_363, %dot_general3A_525 {dimension_numbers = #tpu.dot_dimension_numbers<[1], [0], [0], [1], [0, 0, 1, 1], [], []>, transpose_lhs_hint = false} : vector<3072x128xbf16>, vector<128x32xbf16>, vector<3072x32xf32> -> vector<3072x32xf32>
      %broadcast_in_dim3A_527 = vector.shape_cast %get3A_365 : vector<32xf32> to vector<1x32xf32>
      %add3A_528 = vector.broadcast %broadcast_in_dim3A_527 : vector<1x32xf32> to vector<3072x32xf32>
      %add3A_529 = arith.addf %dot_general3A_526, %add3A_528 : vector<3072x32xf32>
      %reshape3A_530 = vector.shape_cast %add3A_529 : vector<3072x32xf32> to vector<64x48x32xf32>
      %reduce_sum3A_531 = arith.constant dense<0.000000e+00> : vector<64x32xf32>
      %reduce_sum3A_532 = vector.multi_reduction <add>, %reshape3A_530, %reduce_sum3A_531 [1] : vector<64x48x32xf32> to vector<64x32xf32>
      %convert_element_type3A_533 = arith.truncf %reduce_sum3A_532 : vector<64x32xf32> to vector<64x32xbf16>
      %dot_general3A_534 = arith.constant dense<0.000000e+00> : vector<3072x32xf32>
      %dot_general3A_535 = tpu.matmul %convert_element_type3A_39, %convert_element_type3A_533, %dot_general3A_534 {dimension_numbers = #tpu.dot_dimension_numbers<[1], [0], [0], [1], [0, 0, 1, 1], [], []>, transpose_lhs_hint = false} : vector<3072x64xbf16>, vector<64x32xbf16>, vector<3072x32xf32> -> vector<3072x32xf32>
      %add3A_536 = arith.addf %add3A_501, %dot_general3A_535 : vector<3072x32xf32>
      %reshape3A_537 = vector.shape_cast %add3A_536 : vector<3072x32xf32> to vector<64x48x32xf32>
      %broadcast_in_dim3A_538 = vector.shape_cast %reduce_sum3A_532 : vector<64x32xf32> to vector<64x1x32xf32>
      %add3A_539 = vector.broadcast %broadcast_in_dim3A_538 : vector<64x1x32xf32> to vector<64x48x32xf32>
      %add3A_540 = arith.addf %reshape3A_537, %add3A_539 : vector<64x48x32xf32>
      %reshape3A_541 = vector.shape_cast %add3A_540 : vector<64x48x32xf32> to vector<3072x32xf32>
      %convert_element_type3A_542 = arith.truncf %reshape3A_541 : vector<3072x32xf32> to vector<3072x32xbf16>
      %get3A_543 = arith.constant 0 : index
      %get3A_544 = arith.constant 0 : index
      %get3A_545 = vector.load %arg7[%get3A_543, %get3A_544] : memref<32x128xbf16, #tpu.memory_space<vmem>>, vector<32x128xbf16>
      %dot_general3A_546 = arith.constant dense<0.000000e+00> : vector<3072x128xf32>
      %dot_general3A_547 = tpu.matmul %convert_element_type3A_542, %get3A_545, %dot_general3A_546 {dimension_numbers = #tpu.dot_dimension_numbers<[1], [0], [0], [1], [0, 0, 1, 1], [], []>, transpose_lhs_hint = false} : vector<3072x32xbf16>, vector<32x128xbf16>, vector<3072x128xf32> -> vector<3072x128xf32>
      %swap3A_548 = arith.constant 0 : index
      %swap3A_549 = arith.constant 0 : index
      %swap3A_550 = vector.load %arg67[%swap3A_548, %swap3A_549] : memref<3072x128xf32, #tpu.memory_space<vmem>>, vector<3072x128xf32>
      tpu.vector_store %arg67[%swap3A_548, %swap3A_549], %dot_general3A_547 {strides = array<i32>} : memref<3072x128xf32, #tpu.memory_space<vmem>>, vector<3072x128xf32>,
      %reshape3A_551 = vector.shape_cast %dot_general3A_547 : vector<3072x128xf32> to vector<64x48x128xf32>
      %swap3A_552 = arith.constant 0 : index
      %swap3A_553 = arith.constant 0 : index
      %swap3A_554 = arith.constant 0 : index
      %swap3A_555 = arith.constant 0 : index
      %swap3A_556 = arith.constant 0 : index
      %swap3A_557 = vector.load %arg62[%swap3A_552, %swap3A_553, %swap3A_554, %swap3A_555, %swap3A_556] : memref<1x1x64x48x128xf32, #tpu.memory_space<vmem>>, vector<1x1x64x48x128xf32>
      %swap3A_558 = vector.shape_cast %swap3A_557 : vector<1x1x64x48x128xf32> to vector<64x48x128xf32>
      %swap3A_559 = vector.shape_cast %reshape3A_551 : vector<64x48x128xf32> to vector<1x1x64x48x128xf32>
      tpu.vector_store %arg62[%swap3A_552, %swap3A_553, %swap3A_554, %swap3A_555, %swap3A_556], %swap3A_559 {strides = array<i32>} : memref<1x1x64x48x128xf32, #tpu.memory_space<vmem>>, vector<1x1x64x48x128xf32>,
      %add3A_560 = arith.addf %add3A_327, %add3A_473 : vector<64x32xf32>
      %swap3A_561 = arith.constant 0 : index
      %swap3A_562 = arith.constant 0 : index
      %swap3A_563 = vector.load %arg66[%swap3A_561, %swap3A_562] : memref<64x32xf32, #tpu.memory_space<vmem>>, vector<64x32xf32>
      tpu.vector_store %arg66[%swap3A_561, %swap3A_562], %add3A_560 {strides = array<i32>} : memref<64x32xf32, #tpu.memory_space<vmem>>, vector<64x32xf32>,
    } else {
    }
    %gt3A = arith.constant 0 : i32
    %gt3A_2 = arith.cmpi sgt, %arg1, %gt3A : i32
    %convert_element_type3A_3 = arith.extui %gt3A_2 : i1 to i32
    %cond3A_4 = arith.constant 0 : i32
    %cond3A_5 = arith.cmpi ne, %convert_element_type3A_3, %cond3A_4 : i32
    scf.if %cond3A_5 {
      %get3A = arith.constant 0 : index
      %get3A_11 = arith.constant 0 : index
      %get3A_12 = vector.load %arg63[%get3A, %get3A_11] : memref<3072x64xbf16, #tpu.memory_space<vmem>>, vector<3072x64xbf16>
      %get3A_13 = arith.constant 0 : index
      %get3A_14 = arith.constant 0 : index
      %get3A_15 = vector.load %arg64[%get3A_13, %get3A_14] : memref<3072x8xbf16, #tpu.memory_space<vmem>>, vector<3072x8xbf16>
      %get3A_16 = arith.constant 0 : index
      %get3A_17 = arith.constant 0 : index
      %get3A_18 = vector.load %arg65[%get3A_16, %get3A_17] : memref<3072x50xbf16, #tpu.memory_space<vmem>>, vector<3072x50xbf16>
      %slice3A = vector.extract_strided_slice %get3A_15 {offsets = [0, 3], sizes = [3072, 1], strides = [1, 1]} : vector<3072x8xbf16> to vector<3072x1xbf16>
      %convert_element_type3A_19 = arith.extf %slice3A : vector<3072x1xbf16> to vector<3072x1xf32>
      %get3A_20 = arith.constant 0 : index
      %get3A_21 = arith.constant 0 : index
      %get3A_22 = vector.load %arg66[%get3A_20, %get3A_21] : memref<64x32xf32, #tpu.memory_space<vmem>>, vector<64x32xf32>
      %get3A_23 = arith.constant 0 : index
      %get3A_24 = arith.constant 0 : index
      %get3A_25 = arith.constant 0 : index
      %get3A_26 = vector.load %arg48[%get3A_23, %get3A_24, %get3A_25] : memref<1x128x128xbf16, #tpu.memory_space<vmem>>, vector<1x128x128xbf16>
      %get3A_27 = vector.shape_cast %get3A_26 : vector<1x128x128xbf16> to vector<128x128xbf16>
      %get3A_28 = arith.constant 0 : index
      %get3A_29 = arith.constant 0 : index
      %get3A_30 = arith.constant 0 : index
      %get3A_31 = vector.load %arg49[%get3A_28, %get3A_29, %get3A_30] : memref<1x1x128xf32, #tpu.memory_space<vmem>>, vector<1x1x128xf32>
      %get3A_32 = vector.shape_cast %get3A_31 : vector<1x1x128xf32> to vector<1x128xf32>
      %get3A_33 = arith.constant 0 : index
      %get3A_34 = arith.constant 0 : index
      %get3A_35 = arith.constant 0 : index
      %get3A_36 = vector.load %arg50[%get3A_33, %get3A_34, %get3A_35] : memref<1x128x128xbf16, #tpu.memory_space<vmem>>, vector<1x128x128xbf16>
      %get3A_37 = vector.shape_cast %get3A_36 : vector<1x128x128xbf16> to vector<128x128xbf16>
      %get3A_38 = arith.constant 0 : index
      %get3A_39 = arith.constant 0 : index
      %get3A_40 = arith.constant 0 : index
      %get3A_41 = vector.load %arg51[%get3A_38, %get3A_39, %get3A_40] : memref<1x1x128xf32, #tpu.memory_space<vmem>>, vector<1x1x128xf32>
      %get3A_42 = vector.shape_cast %get3A_41 : vector<1x1x128xf32> to vector<1x128xf32>
      %get3A_43 = arith.constant 0 : index
      %get3A_44 = arith.constant 0 : index
      %get3A_45 = arith.constant 0 : index
      %get3A_46 = vector.load %arg41[%get3A_43, %get3A_44, %get3A_45] : memref<1x32x128xbf16, #tpu.memory_space<vmem>>, vector<1x32x128xbf16>
      %get3A_47 = vector.shape_cast %get3A_46 : vector<1x32x128xbf16> to vector<32x128xbf16>
      %get3A_48 = arith.constant 0 : index
      %get3A_49 = arith.constant 0 : index
      %get3A_50 = arith.constant 0 : index
      %get3A_51 = vector.load %arg42[%get3A_48, %get3A_49, %get3A_50] : memref<1x128x128xbf16, #tpu.memory_space<vmem>>, vector<1x128x128xbf16>
      %get3A_52 = vector.shape_cast %get3A_51 : vector<1x128x128xbf16> to vector<128x128xbf16>
      %get3A_53 = arith.constant 0 : index
      %get3A_54 = arith.constant 0 : index
      %get3A_55 = arith.constant 0 : index
      %get3A_56 = vector.load %arg43[%get3A_53, %get3A_54, %get3A_55] : memref<1x1x128xf32, #tpu.memory_space<vmem>>, vector<1x1x128xf32>
      %get3A_57 = vector.shape_cast %get3A_56 : vector<1x1x128xf32> to vector<1x128xf32>
      %get3A_58 = arith.constant 0 : index
      %get3A_59 = arith.constant 0 : index
      %get3A_60 = arith.constant 0 : index
      %get3A_61 = vector.load %arg44[%get3A_58, %get3A_59, %get3A_60] : memref<1x128x128xbf16, #tpu.memory_space<vmem>>, vector<1x128x128xbf16>
      %get3A_62 = vector.shape_cast %get3A_61 : vector<1x128x128xbf16> to vector<128x128xbf16>
      %get3A_63 = arith.constant 0 : index
      %get3A_64 = arith.constant 0 : index
      %get3A_65 = arith.constant 0 : index
      %get3A_66 = vector.load %arg45[%get3A_63, %get3A_64, %get3A_65] : memref<1x1x128xf32, #tpu.memory_space<vmem>>, vector<1x1x128xf32>
      %get3A_67 = vector.shape_cast %get3A_66 : vector<1x1x128xf32> to vector<1x128xf32>
      %get3A_68 = arith.constant 0 : index
      %get3A_69 = arith.constant 0 : index
      %get3A_70 = arith.constant 0 : index
      %get3A_71 = vector.load %arg46[%get3A_68, %get3A_69, %get3A_70] : memref<1x128x32xbf16, #tpu.memory_space<vmem>>, vector<1x128x32xbf16>
      %get3A_72 = vector.shape_cast %get3A_71 : vector<1x128x32xbf16> to vector<128x32xbf16>
      %get3A_73 = arith.constant 0 : index
      %get3A_74 = arith.constant 0 : index
      %get3A_75 = arith.constant 0 : index
      %get3A_76 = vector.load %arg47[%get3A_73, %get3A_74, %get3A_75] : memref<1x1x32xf32, #tpu.memory_space<vmem>>, vector<1x1x32xf32>
      %get3A_77 = vector.shape_cast %get3A_76 : vector<1x1x32xf32> to vector<1x32xf32>
      %get3A_78 = arith.constant 0 : index
      %get3A_79 = arith.constant 0 : index
      %get3A_80 = arith.constant 0 : index
      %get3A_81 = vector.load %arg52[%get3A_78, %get3A_79, %get3A_80] : memref<1x128x128xbf16, #tpu.memory_space<vmem>>, vector<1x128x128xbf16>
      %get3A_82 = vector.shape_cast %get3A_81 : vector<1x128x128xbf16> to vector<128x128xbf16>
      %get3A_83 = arith.constant 0 : index
      %get3A_84 = arith.constant 0 : index
      %get3A_85 = arith.constant 0 : index
      %get3A_86 = vector.load %arg53[%get3A_83, %get3A_84, %get3A_85] : memref<1x1x128xf32, #tpu.memory_space<vmem>>, vector<1x1x128xf32>
      %get3A_87 = vector.shape_cast %get3A_86 : vector<1x1x128xf32> to vector<1x128xf32>
      %get3A_88 = arith.constant 0 : index
      %get3A_89 = arith.constant 0 : index
      %get3A_90 = arith.constant 0 : index
      %get3A_91 = vector.load %arg54[%get3A_88, %get3A_89, %get3A_90] : memref<1x128x96xbf16, #tpu.memory_space<vmem>>, vector<1x128x96xbf16>
      %get3A_92 = vector.shape_cast %get3A_91 : vector<1x128x96xbf16> to vector<128x96xbf16>
      %get3A_93 = arith.constant 0 : index
      %get3A_94 = arith.constant 0 : index
      %get3A_95 = arith.constant 0 : index
      %get3A_96 = vector.load %arg55[%get3A_93, %get3A_94, %get3A_95] : memref<1x1x96xf32, #tpu.memory_space<vmem>>, vector<1x1x96xf32>
      %get3A_97 = vector.shape_cast %get3A_96 : vector<1x1x96xf32> to vector<1x96xf32>
      %get3A_98 = arith.constant 0 : index
      %get3A_99 = arith.constant 0 : index
      %get3A_100 = arith.constant 0 : index
      %get3A_101 = vector.load %arg37[%get3A_98, %get3A_99, %get3A_100] : memref<1x50x128xbf16, #tpu.memory_space<vmem>>, vector<1x50x128xbf16>
      %get3A_102 = vector.shape_cast %get3A_101 : vector<1x50x128xbf16> to vector<50x128xbf16>
      %get3A_103 = arith.constant 0 : index
      %get3A_104 = arith.constant 0 : index
      %get3A_105 = arith.constant 0 : index
      %get3A_106 = vector.load %arg38[%get3A_103, %get3A_104, %get3A_105] : memref<1x1x128xf32, #tpu.memory_space<vmem>>, vector<1x1x128xf32>
      %get3A_107 = vector.shape_cast %get3A_106 : vector<1x1x128xf32> to vector<1x128xf32>
      %get3A_108 = arith.constant 0 : index
      %get3A_109 = arith.constant 0 : index
      %get3A_110 = arith.constant 0 : index
      %get3A_111 = vector.load %arg39[%get3A_108, %get3A_109, %get3A_110] : memref<1x128x128xbf16, #tpu.memory_space<vmem>>, vector<1x128x128xbf16>
      %get3A_112 = vector.shape_cast %get3A_111 : vector<1x128x128xbf16> to vector<128x128xbf16>
      %get3A_113 = arith.constant 0 : index
      %get3A_114 = arith.constant 0 : index
      %get3A_115 = arith.constant 0 : index
      %get3A_116 = vector.load %arg40[%get3A_113, %get3A_114, %get3A_115] : memref<1x1x128xf32, #tpu.memory_space<vmem>>, vector<1x1x128xf32>
      %get3A_117 = vector.shape_cast %get3A_116 : vector<1x1x128xf32> to vector<1x128xf32>
      %dot_general3A = arith.constant dense<0.000000e+00> : vector<3072x128xf32>
      %dot_general3A_118 = tpu.matmul %get3A_18, %get3A_102, %dot_general3A {dimension_numbers = #tpu.dot_dimension_numbers<[1], [0], [0], [1], [0, 0, 1, 1], [], []>, transpose_lhs_hint = false} : vector<3072x50xbf16>, vector<50x128xbf16>, vector<3072x128xf32> -> vector<3072x128xf32>
      %add3A = vector.broadcast %get3A_107 : vector<1x128xf32> to vector<3072x128xf32>
      %add3A_119 = arith.addf %dot_general3A_118, %add3A : vector<3072x128xf32>
      %neg3A = arith.constant 0.000000e+00 : f32
      %neg3A_120 = vector.broadcast %neg3A : f32 to vector<3072x128xf32>
      %neg3A_121 = arith.subf %neg3A_120, %add3A_119 : vector<3072x128xf32>
      %min3A = arith.minimumf %add3A_119, %neg3A_121 : vector<3072x128xf32>
      %exp23A = math.exp2 %min3A : vector<3072x128xf32>
      %max3A = arith.constant 0.000000e+00 : f32
      %max3A_122 = vector.broadcast %max3A : f32 to vector<3072x128xf32>
      %max3A_123 = arith.maximumf %neg3A_121, %max3A_122 : vector<3072x128xf32>
      %add3A_124 = arith.constant 1.000000e+00 : f32
      %add3A_125 = vector.broadcast %add3A_124 : f32 to vector<3072x128xf32>
      %add3A_126 = arith.addf %add3A_125, %exp23A : vector<3072x128xf32>
      %log3A = math.log %add3A_126 : vector<3072x128xf32>
      %log3A_127 = arith.constant 2.000000e+00 : f32
      %log3A_128 = math.log %log3A_127 : f32
      %div3A = vector.broadcast %log3A_128 : f32 to vector<3072x128xf32>
      %div3A_129 = arith.divf %log3A, %div3A : vector<3072x128xf32>
      %add3A_130 = arith.addf %max3A_123, %div3A_129 : vector<3072x128xf32>
      %convert_element_type3A_131 = arith.truncf %add3A_130 : vector<3072x128xf32> to vector<3072x128xbf16>
      %dot_general3A_132 = arith.constant dense<0.000000e+00> : vector<3072x128xf32>
      %dot_general3A_133 = tpu.matmul %convert_element_type3A_131, %get3A_112, %dot_general3A_132 {dimension_numbers = #tpu.dot_dimension_numbers<[1], [0], [0], [1], [0, 0, 1, 1], [], []>, transpose_lhs_hint = false} : vector<3072x128xbf16>, vector<128x128xbf16>, vector<3072x128xf32> -> vector<3072x128xf32>
      %add3A_134 = vector.broadcast %get3A_117 : vector<1x128xf32> to vector<3072x128xf32>
      %add3A_135 = arith.addf %dot_general3A_133, %add3A_134 : vector<3072x128xf32>
      %mul3A = vector.broadcast %convert_element_type3A_19 : vector<3072x1xf32> to vector<3072x128xf32>
      %mul3A_136 = arith.mulf %add3A_135, %mul3A : vector<3072x128xf32>
      %convert_element_type3A_137 = arith.truncf %get3A_22 : vector<64x32xf32> to vector<64x32xbf16>
      %dot_general3A_138 = arith.constant dense<0.000000e+00> : vector<64x128xf32>
      %dot_general3A_139 = tpu.matmul %convert_element_type3A_137, %get3A_47, %dot_general3A_138 {dimension_numbers = #tpu.dot_dimension_numbers<[1], [0], [0], [1], [0, 0, 1, 1], [], []>, transpose_lhs_hint = false} : vector<64x32xbf16>, vector<32x128xbf16>, vector<64x128xf32> -> vector<64x128xf32>
      %convert_element_type3A_140 = arith.truncf %dot_general3A_139 : vector<64x128xf32> to vector<64x128xbf16>
      %dot_general3A_141 = arith.constant dense<0.000000e+00> : vector<3072x128xf32>
      %dot_general3A_142 = tpu.matmul %get3A_12, %convert_element_type3A_140, %dot_general3A_141 {dimension_numbers = #tpu.dot_dimension_numbers<[1], [0], [0], [1], [0, 0, 1, 1], [], []>, transpose_lhs_hint = false} : vector<3072x64xbf16>, vector<64x128xbf16>, vector<3072x128xf32> -> vector<3072x128xf32>
      %reshape3A = vector.shape_cast %dot_general3A_142 : vector<3072x128xf32> to vector<64x48x128xf32>
      %broadcast_in_dim3A = vector.shape_cast %dot_general3A_139 : vector<64x128xf32> to vector<64x1x128xf32>
      %mul3A_143 = vector.broadcast %broadcast_in_dim3A : vector<64x1x128xf32> to vector<64x48x128xf32>
      %mul3A_144 = arith.mulf %reshape3A, %mul3A_143 : vector<64x48x128xf32>
      %reshape3A_145 = vector.shape_cast %mul3A_144 : vector<64x48x128xf32> to vector<3072x128xf32>
      %mul3A_146 = arith.mulf %reshape3A_145, %mul3A_136 : vector<3072x128xf32>
      %convert_element_type3A_147 = arith.truncf %mul3A_146 : vector<3072x128xf32> to vector<3072x128xbf16>
      %dot_general3A_148 = arith.constant dense<0.000000e+00> : vector<3072x128xf32>
      %dot_general3A_149 = tpu.matmul %convert_element_type3A_147, %get3A_52, %dot_general3A_148 {dimension_numbers = #tpu.dot_dimension_numbers<[1], [0], [0], [1], [0, 0, 1, 1], [], []>, transpose_lhs_hint = false} : vector<3072x128xbf16>, vector<128x128xbf16>, vector<3072x128xf32> -> vector<3072x128xf32>
      %add3A_150 = vector.broadcast %get3A_57 : vector<1x128xf32> to vector<3072x128xf32>
      %add3A_151 = arith.addf %dot_general3A_149, %add3A_150 : vector<3072x128xf32>
      %neg3A_152 = arith.constant 0.000000e+00 : f32
      %neg3A_153 = vector.broadcast %neg3A_152 : f32 to vector<3072x128xf32>
      %neg3A_154 = arith.subf %neg3A_153, %add3A_151 : vector<3072x128xf32>
      %min3A_155 = arith.minimumf %add3A_151, %neg3A_154 : vector<3072x128xf32>
      %exp23A_156 = math.exp2 %min3A_155 : vector<3072x128xf32>
      %max3A_157 = arith.constant 0.000000e+00 : f32
      %max3A_158 = vector.broadcast %max3A_157 : f32 to vector<3072x128xf32>
      %max3A_159 = arith.maximumf %neg3A_154, %max3A_158 : vector<3072x128xf32>
      %add3A_160 = arith.constant 1.000000e+00 : f32
      %add3A_161 = vector.broadcast %add3A_160 : f32 to vector<3072x128xf32>
      %add3A_162 = arith.addf %add3A_161, %exp23A_156 : vector<3072x128xf32>
      %log3A_163 = math.log %add3A_162 : vector<3072x128xf32>
      %log3A_164 = arith.constant 2.000000e+00 : f32
      %log3A_165 = math.log %log3A_164 : f32
      %div3A_166 = vector.broadcast %log3A_165 : f32 to vector<3072x128xf32>
      %div3A_167 = arith.divf %log3A_163, %div3A_166 : vector<3072x128xf32>
      %add3A_168 = arith.addf %max3A_159, %div3A_167 : vector<3072x128xf32>
      %convert_element_type3A_169 = arith.truncf %add3A_168 : vector<3072x128xf32> to vector<3072x128xbf16>
      %reshape3A_170 = vector.shape_cast %add3A_168 : vector<3072x128xf32> to vector<64x48x128xf32>
      %reduce_sum3A = arith.constant dense<0.000000e+00> : vector<64x128xf32>
      %reduce_sum3A_171 = vector.multi_reduction <add>, %reshape3A_170, %reduce_sum3A [1] : vector<64x48x128xf32> to vector<64x128xf32>
      %convert_element_type3A_172 = arith.truncf %reduce_sum3A_171 : vector<64x128xf32> to vector<64x128xbf16>
      %dot_general3A_173 = arith.constant dense<0.000000e+00> : vector<64x128xf32>
      %dot_general3A_174 = tpu.matmul %convert_element_type3A_172, %get3A_62, %dot_general3A_173 {dimension_numbers = #tpu.dot_dimension_numbers<[1], [0], [0], [1], [0, 0, 1, 1], [], []>, transpose_lhs_hint = false} : vector<64x128xbf16>, vector<128x128xbf16>, vector<64x128xf32> -> vector<64x128xf32>
      %add3A_175 = vector.broadcast %get3A_67 : vector<1x128xf32> to vector<64x128xf32>
      %add3A_176 = arith.addf %dot_general3A_174, %add3A_175 : vector<64x128xf32>
      %neg3A_177 = arith.constant 0.000000e+00 : f32
      %neg3A_178 = vector.broadcast %neg3A_177 : f32 to vector<64x128xf32>
      %neg3A_179 = arith.subf %neg3A_178, %add3A_176 : vector<64x128xf32>
      %min3A_180 = arith.minimumf %add3A_176, %neg3A_179 : vector<64x128xf32>
      %exp23A_181 = math.exp2 %min3A_180 : vector<64x128xf32>
      %max3A_182 = arith.constant 0.000000e+00 : f32
      %max3A_183 = vector.broadcast %max3A_182 : f32 to vector<64x128xf32>
      %max3A_184 = arith.maximumf %neg3A_179, %max3A_183 : vector<64x128xf32>
      %add3A_185 = arith.constant 1.000000e+00 : f32
      %add3A_186 = vector.broadcast %add3A_185 : f32 to vector<64x128xf32>
      %add3A_187 = arith.addf %add3A_186, %exp23A_181 : vector<64x128xf32>
      %log3A_188 = math.log %add3A_187 : vector<64x128xf32>
      %log3A_189 = arith.constant 2.000000e+00 : f32
      %log3A_190 = math.log %log3A_189 : f32
      %div3A_191 = vector.broadcast %log3A_190 : f32 to vector<64x128xf32>
      %div3A_192 = arith.divf %log3A_188, %div3A_191 : vector<64x128xf32>
      %add3A_193 = arith.addf %max3A_184, %div3A_192 : vector<64x128xf32>
      %convert_element_type3A_194 = arith.truncf %add3A_193 : vector<64x128xf32> to vector<64x128xbf16>
      %dot_general3A_195 = arith.constant dense<0.000000e+00> : vector<64x32xf32>
      %dot_general3A_196 = tpu.matmul %convert_element_type3A_194, %get3A_72, %dot_general3A_195 {dimension_numbers = #tpu.dot_dimension_numbers<[1], [0], [0], [1], [0, 0, 1, 1], [], []>, transpose_lhs_hint = false} : vector<64x128xbf16>, vector<128x32xbf16>, vector<64x32xf32> -> vector<64x32xf32>
      %add3A_197 = vector.broadcast %get3A_77 : vector<1x32xf32> to vector<64x32xf32>
      %add3A_198 = arith.addf %dot_general3A_196, %add3A_197 : vector<64x32xf32>
      %dot_general3A_199 = arith.constant dense<0.000000e+00> : vector<3072x128xf32>
      %dot_general3A_200 = tpu.matmul %convert_element_type3A_169, %get3A_27, %dot_general3A_199 {dimension_numbers = #tpu.dot_dimension_numbers<[1], [0], [0], [1], [0, 0, 1, 1], [], []>, transpose_lhs_hint = false} : vector<3072x128xbf16>, vector<128x128xbf16>, vector<3072x128xf32> -> vector<3072x128xf32>
      %add3A_201 = vector.broadcast %get3A_32 : vector<1x128xf32> to vector<3072x128xf32>
      %add3A_202 = arith.addf %dot_general3A_200, %add3A_201 : vector<3072x128xf32>
      %neg3A_203 = arith.constant 0.000000e+00 : f32
      %neg3A_204 = vector.broadcast %neg3A_203 : f32 to vector<3072x128xf32>
      %neg3A_205 = arith.subf %neg3A_204, %add3A_202 : vector<3072x128xf32>
      %min3A_206 = arith.minimumf %add3A_202, %neg3A_205 : vector<3072x128xf32>
      %exp23A_207 = math.exp2 %min3A_206 : vector<3072x128xf32>
      %max3A_208 = arith.constant 0.000000e+00 : f32
      %max3A_209 = vector.broadcast %max3A_208 : f32 to vector<3072x128xf32>
      %max3A_210 = arith.maximumf %neg3A_205, %max3A_209 : vector<3072x128xf32>
      %add3A_211 = arith.constant 1.000000e+00 : f32
      %add3A_212 = vector.broadcast %add3A_211 : f32 to vector<3072x128xf32>
      %add3A_213 = arith.addf %add3A_212, %exp23A_207 : vector<3072x128xf32>
      %log3A_214 = math.log %add3A_213 : vector<3072x128xf32>
      %log3A_215 = arith.constant 2.000000e+00 : f32
      %log3A_216 = math.log %log3A_215 : f32
      %div3A_217 = vector.broadcast %log3A_216 : f32 to vector<3072x128xf32>
      %div3A_218 = arith.divf %log3A_214, %div3A_217 : vector<3072x128xf32>
      %add3A_219 = arith.addf %max3A_210, %div3A_218 : vector<3072x128xf32>
      %convert_element_type3A_220 = arith.truncf %add3A_219 : vector<3072x128xf32> to vector<3072x128xbf16>
      %dot_general3A_221 = arith.constant dense<0.000000e+00> : vector<3072x128xf32>
      %dot_general3A_222 = tpu.matmul %convert_element_type3A_220, %get3A_37, %dot_general3A_221 {dimension_numbers = #tpu.dot_dimension_numbers<[1], [0], [0], [1], [0, 0, 1, 1], [], []>, transpose_lhs_hint = false} : vector<3072x128xbf16>, vector<128x128xbf16>, vector<3072x128xf32> -> vector<3072x128xf32>
      %add3A_223 = vector.broadcast %get3A_42 : vector<1x128xf32> to vector<3072x128xf32>
      %add3A_224 = arith.addf %dot_general3A_222, %add3A_223 : vector<3072x128xf32>
      %dot_general3A_225 = arith.constant dense<0.000000e+00> : vector<3072x128xf32>
      %dot_general3A_226 = tpu.matmul %convert_element_type3A_169, %get3A_82, %dot_general3A_225 {dimension_numbers = #tpu.dot_dimension_numbers<[1], [0], [0], [1], [0, 0, 1, 1], [], []>, transpose_lhs_hint = false} : vector<3072x128xbf16>, vector<128x128xbf16>, vector<3072x128xf32> -> vector<3072x128xf32>
      %add3A_227 = vector.broadcast %get3A_87 : vector<1x128xf32> to vector<3072x128xf32>
      %add3A_228 = arith.addf %dot_general3A_226, %add3A_227 : vector<3072x128xf32>
      %neg3A_229 = arith.constant 0.000000e+00 : f32
      %neg3A_230 = vector.broadcast %neg3A_229 : f32 to vector<3072x128xf32>
      %neg3A_231 = arith.subf %neg3A_230, %add3A_228 : vector<3072x128xf32>
      %min3A_232 = arith.minimumf %add3A_228, %neg3A_231 : vector<3072x128xf32>
      %exp23A_233 = math.exp2 %min3A_232 : vector<3072x128xf32>
      %max3A_234 = arith.constant 0.000000e+00 : f32
      %max3A_235 = vector.broadcast %max3A_234 : f32 to vector<3072x128xf32>
      %max3A_236 = arith.maximumf %neg3A_231, %max3A_235 : vector<3072x128xf32>
      %add3A_237 = arith.constant 1.000000e+00 : f32
      %add3A_238 = vector.broadcast %add3A_237 : f32 to vector<3072x128xf32>
      %add3A_239 = arith.addf %add3A_238, %exp23A_233 : vector<3072x128xf32>
      %log3A_240 = math.log %add3A_239 : vector<3072x128xf32>
      %log3A_241 = arith.constant 2.000000e+00 : f32
      %log3A_242 = math.log %log3A_241 : f32
      %div3A_243 = vector.broadcast %log3A_242 : f32 to vector<3072x128xf32>
      %div3A_244 = arith.divf %log3A_240, %div3A_243 : vector<3072x128xf32>
      %add3A_245 = arith.addf %max3A_236, %div3A_244 : vector<3072x128xf32>
      %convert_element_type3A_246 = arith.truncf %add3A_245 : vector<3072x128xf32> to vector<3072x128xbf16>
      %dot_general3A_247 = arith.constant dense<0.000000e+00> : vector<3072x96xf32>
      %dot_general3A_248 = tpu.matmul %convert_element_type3A_246, %get3A_92, %dot_general3A_247 {dimension_numbers = #tpu.dot_dimension_numbers<[1], [0], [0], [1], [0, 0, 1, 1], [], []>, transpose_lhs_hint = false} : vector<3072x128xbf16>, vector<128x96xbf16>, vector<3072x96xf32> -> vector<3072x96xf32>
      %add3A_249 = vector.broadcast %get3A_97 : vector<1x96xf32> to vector<3072x96xf32>
      %add3A_250 = arith.addf %dot_general3A_248, %add3A_249 : vector<3072x96xf32>
      %get3A_251 = arith.constant 0 : index
      %get3A_252 = arith.constant 0 : index
      %get3A_253 = vector.load %arg8[%get3A_251, %get3A_252] : memref<8x96xbf16, #tpu.memory_space<vmem>>, vector<8x96xbf16>
      %dot_general3A_254 = arith.constant dense<0.000000e+00> : vector<3072x96xf32>
      %dot_general3A_255 = tpu.matmul %get3A_15, %get3A_253, %dot_general3A_254 {dimension_numbers = #tpu.dot_dimension_numbers<[1], [0], [0], [1], [0, 0, 1, 1], [], []>, transpose_lhs_hint = false} : vector<3072x8xbf16>, vector<8x96xbf16>, vector<3072x96xf32> -> vector<3072x96xf32>
      %mul3A_256 = arith.mulf %add3A_250, %dot_general3A_255 : vector<3072x96xf32>
      %reshape3A_257 = vector.shape_cast %mul3A_256 : vector<3072x96xf32> to vector<64x48x96xf32>
      %reduce_sum3A_258 = arith.constant dense<0.000000e+00> : vector<64x96xf32>
      %reduce_sum3A_259 = vector.multi_reduction <add>, %reshape3A_257, %reduce_sum3A_258 [1] : vector<64x48x96xf32> to vector<64x96xf32>
      %convert_element_type3A_260 = arith.truncf %reduce_sum3A_259 : vector<64x96xf32> to vector<64x96xbf16>
      %get3A_261 = arith.constant 0 : index
      %get3A_262 = arith.constant 0 : index
      %get3A_263 = arith.constant 0 : index
      %get3A_264 = vector.load %arg58[%get3A_261, %get3A_262, %get3A_263] : memref<1x96x128xbf16, #tpu.memory_space<vmem>>, vector<1x96x128xbf16>
      %get3A_265 = vector.shape_cast %get3A_264 : vector<1x96x128xbf16> to vector<96x128xbf16>
      %dot_general3A_266 = arith.constant dense<0.000000e+00> : vector<64x128xf32>
      %dot_general3A_267 = tpu.matmul %convert_element_type3A_260, %get3A_265, %dot_general3A_266 {dimension_numbers = #tpu.dot_dimension_numbers<[1], [0], [0], [1], [0, 0, 1, 1], [], []>, transpose_lhs_hint = false} : vector<64x96xbf16>, vector<96x128xbf16>, vector<64x128xf32> -> vector<64x128xf32>
      %convert_element_type3A_268 = arith.truncf %dot_general3A_267 : vector<64x128xf32> to vector<64x128xbf16>
      %dot_general3A_269 = arith.constant dense<0.000000e+00> : vector<3072x128xf32>
      %dot_general3A_270 = tpu.matmul %get3A_12, %convert_element_type3A_268, %dot_general3A_269 {dimension_numbers = #tpu.dot_dimension_numbers<[1], [0], [0], [1], [0, 0, 1, 1], [], []>, transpose_lhs_hint = false} : vector<3072x64xbf16>, vector<64x128xbf16>, vector<3072x128xf32> -> vector<3072x128xf32>
      %get3A_271 = arith.constant 0 : index
      %get3A_272 = arith.constant 0 : index
      %get3A_273 = arith.constant 0 : index
      %get3A_274 = vector.load %arg57[%get3A_271, %get3A_272, %get3A_273] : memref<1x96x128xbf16, #tpu.memory_space<vmem>>, vector<1x96x128xbf16>
      %get3A_275 = vector.shape_cast %get3A_274 : vector<1x96x128xbf16> to vector<96x128xbf16>
      %dot_general3A_276 = arith.constant dense<0.000000e+00> : vector<64x128xf32>
      %dot_general3A_277 = tpu.matmul %convert_element_type3A_260, %get3A_275, %dot_general3A_276 {dimension_numbers = #tpu.dot_dimension_numbers<[1], [0], [0], [1], [0, 0, 1, 1], [], []>, transpose_lhs_hint = false} : vector<64x96xbf16>, vector<96x128xbf16>, vector<64x128xf32> -> vector<64x128xf32>
      %get3A_278 = arith.constant 0 : index
      %get3A_279 = arith.constant 0 : index
      %get3A_280 = arith.constant 0 : index
      %get3A_281 = vector.load %arg56[%get3A_278, %get3A_279, %get3A_280] : memref<1x8x128xbf16, #tpu.memory_space<vmem>>, vector<1x8x128xbf16>
      %get3A_282 = vector.shape_cast %get3A_281 : vector<1x8x128xbf16> to vector<8x128xbf16>
      %dot_general3A_283 = arith.constant dense<0.000000e+00> : vector<3072x128xf32>
      %dot_general3A_284 = tpu.matmul %get3A_15, %get3A_282, %dot_general3A_283 {dimension_numbers = #tpu.dot_dimension_numbers<[1], [0], [0], [1], [0, 0, 1, 1], [], []>, transpose_lhs_hint = false} : vector<3072x8xbf16>, vector<8x128xbf16>, vector<3072x128xf32> -> vector<3072x128xf32>
      %mul3A_285 = arith.mulf %add3A_224, %dot_general3A_284 : vector<3072x128xf32>
      %add3A_286 = arith.addf %mul3A_285, %dot_general3A_270 : vector<3072x128xf32>
      %get3A_287 = arith.constant 0 : index
      %get3A_288 = arith.constant 0 : index
      %get3A_289 = arith.constant 0 : index
      %get3A_290 = vector.load %arg59[%get3A_287, %get3A_288, %get3A_289] : memref<1x1x128xf32, #tpu.memory_space<vmem>>, vector<1x1x128xf32>
      %get3A_291 = vector.shape_cast %get3A_290 : vector<1x1x128xf32> to vector<1x128xf32>
      %add3A_292 = vector.broadcast %get3A_291 : vector<1x128xf32> to vector<3072x128xf32>
      %add3A_293 = arith.addf %add3A_286, %add3A_292 : vector<3072x128xf32>
      %reshape3A_294 = vector.shape_cast %add3A_293 : vector<3072x128xf32> to vector<64x48x128xf32>
      %broadcast_in_dim3A_295 = vector.shape_cast %dot_general3A_277 : vector<64x128xf32> to vector<64x1x128xf32>
      %add3A_296 = vector.broadcast %broadcast_in_dim3A_295 : vector<64x1x128xf32> to vector<64x48x128xf32>
      %add3A_297 = arith.addf %reshape3A_294, %add3A_296 : vector<64x48x128xf32>
      %reshape3A_298 = vector.shape_cast %add3A_297 : vector<64x48x128xf32> to vector<3072x128xf32>
      %get3A_299 = arith.constant 0 : index
      %get3A_300 = arith.constant 0 : index
      %get3A_301 = vector.load %arg67[%get3A_299, %get3A_300] : memref<3072x128xf32, #tpu.memory_space<vmem>>, vector<3072x128xf32>
      %mul3A_302 = arith.mulf %get3A_301, %reshape3A_298 : vector<3072x128xf32>
      %swap3A = arith.constant 0 : index
      %swap3A_303 = arith.constant 0 : index
      %swap3A_304 = vector.load %arg67[%swap3A, %swap3A_303] : memref<3072x128xf32, #tpu.memory_space<vmem>>, vector<3072x128xf32>
      tpu.vector_store %arg67[%swap3A, %swap3A_303], %mul3A_302 {strides = array<i32>} : memref<3072x128xf32, #tpu.memory_space<vmem>>, vector<3072x128xf32>,
      %reshape3A_305 = vector.shape_cast %mul3A_302 : vector<3072x128xf32> to vector<64x48x128xf32>
      %swap3A_306 = arith.constant 0 : index
      %swap3A_307 = arith.constant 0 : index
      %swap3A_308 = arith.constant 0 : index
      %swap3A_309 = arith.constant 0 : index
      %swap3A_310 = arith.constant 0 : index
      %swap3A_311 = vector.load %arg62[%swap3A_306, %swap3A_307, %swap3A_308, %swap3A_309, %swap3A_310] : memref<1x1x64x48x128xf32, #tpu.memory_space<vmem>>, vector<1x1x64x48x128xf32>
      %swap3A_312 = vector.shape_cast %swap3A_311 : vector<1x1x64x48x128xf32> to vector<64x48x128xf32>
      %swap3A_313 = vector.shape_cast %reshape3A_305 : vector<64x48x128xf32> to vector<1x1x64x48x128xf32>
      tpu.vector_store %arg62[%swap3A_306, %swap3A_307, %swap3A_308, %swap3A_309, %swap3A_310], %swap3A_313 {strides = array<i32>} : memref<1x1x64x48x128xf32, #tpu.memory_space<vmem>>, vector<1x1x64x48x128xf32>,
      %add3A_314 = arith.addf %get3A_22, %add3A_198 : vector<64x32xf32>
      %swap3A_315 = arith.constant 0 : index
      %swap3A_316 = arith.constant 0 : index
      %swap3A_317 = vector.load %arg66[%swap3A_315, %swap3A_316] : memref<64x32xf32, #tpu.memory_space<vmem>>, vector<64x32xf32>
      tpu.vector_store %arg66[%swap3A_315, %swap3A_316], %add3A_314 {strides = array<i32>} : memref<64x32xf32, #tpu.memory_space<vmem>>, vector<64x32xf32>,
    } else {
    }
    %eq3A_6 = arith.constant 8 : i32
    %eq3A_7 = arith.cmpi eq, %arg1, %eq3A_6 : i32
    %convert_element_type3A_8 = arith.extui %eq3A_7 : i1 to i32
    %cond3A_9 = arith.constant 0 : i32
    %cond3A_10 = arith.cmpi ne, %convert_element_type3A_8, %cond3A_9 : i32
    scf.if %cond3A_10 {
      %get3A = arith.constant 0 : index
      %get3A_11 = arith.constant 0 : index
      %get3A_12 = vector.load %arg66[%get3A, %get3A_11] : memref<64x32xf32, #tpu.memory_space<vmem>>, vector<64x32xf32>
      %swap3A = arith.constant 0 : index
      %swap3A_13 = arith.constant 0 : index
      %swap3A_14 = arith.constant 0 : index
      %swap3A_15 = vector.load %arg61[%swap3A, %swap3A_13, %swap3A_14] : memref<1x64x32xf32, #tpu.memory_space<vmem>>, vector<1x64x32xf32>
      %swap3A_16 = vector.shape_cast %swap3A_15 : vector<1x64x32xf32> to vector<64x32xf32>
      %swap3A_17 = vector.shape_cast %get3A_12 : vector<64x32xf32> to vector<1x64x32xf32>
      tpu.vector_store %arg61[%swap3A, %swap3A_13, %swap3A_14], %swap3A_17 {strides = array<i32>} : memref<1x64x32xf32, #tpu.memory_space<vmem>>, vector<1x64x32xf32>,
    } else {
    }
    return
  }
  func.func @transform_0(%arg0: i32, %arg1: i32) -> (i32, i32, i32) {
    %c0_i32 = arith.constant 0 : i32
    %c0_i32_0 = arith.constant 0 : i32
    %c0_i32_1 = arith.constant 0 : i32
    return %arg0, %c0_i32, %c0_i32_0 : i32, i32, i32
  }
  func.func @transform_1(%arg0: i32, %arg1: i32) -> (i32, i32, i32) {
    %c0_i32 = arith.constant 0 : i32
    %c0_i32_0 = arith.constant 0 : i32
    %c0_i32_1 = arith.constant 0 : i32
    return %arg0, %c0_i32, %c0_i32_0 : i32, i32, i32
  }
  func.func @transform_2(%arg0: i32, %arg1: i32) -> (i32, i32, i32) {
    %c0_i32 = arith.constant 0 : i32
    %c0_i32_0 = arith.constant 0 : i32
    %c0_i32_1 = arith.constant 0 : i32
    return %arg0, %c0_i32, %c0_i32_0 : i32, i32, i32
  }
  func.func @transform_3(%arg0: i32, %arg1: i32) -> (i32, i32) {
    %c0_i32 = arith.constant 0 : i32
    %c0_i32_0 = arith.constant 0 : i32
    %c0_i32_1 = arith.constant 0 : i32
    return %c0_i32, %c0_i32_0 : i32, i32
  }
  func.func @transform_4(%arg0: i32, %arg1: i32) -> (i32, i32) {
    %c0_i32 = arith.constant 0 : i32
    %c0_i32_0 = arith.constant 0 : i32
    %c0_i32_1 = arith.constant 0 : i32
    return %c0_i32, %c0_i32_0 : i32, i32
  }
  func.func @transform_5(%arg0: i32, %arg1: i32) -> (i32, i32) {
    %c0_i32 = arith.constant 0 : i32
    %c0_i32_0 = arith.constant 0 : i32
    %c0_i32_1 = arith.constant 0 : i32
    return %c0_i32, %c0_i32_0 : i32, i32
  }
  func.func @transform_6(%arg0: i32, %arg1: i32) -> (i32, i32) {
    %c0_i32 = arith.constant 0 : i32
    %c0_i32_0 = arith.constant 0 : i32
    %c0_i32_1 = arith.constant 0 : i32
    return %c0_i32, %c0_i32_0 : i32, i32
  }
  func.func @transform_7(%arg0: i32, %arg1: i32) -> (i32, i32, i32) {
    %c0_i32 = arith.constant 0 : i32
    %c0_i32_0 = arith.constant 0 : i32
    %c0_i32_1 = arith.constant 0 : i32
    %c0_i32_2 = arith.constant 0 : i32
    return %c0_i32, %c0_i32_0, %c0_i32_1 : i32, i32, i32
  }
  func.func @transform_8(%arg0: i32, %arg1: i32) -> (i32, i32) {
    %c0_i32 = arith.constant 0 : i32
    %c0_i32_0 = arith.constant 0 : i32
    %c0_i32_1 = arith.constant 0 : i32
    return %c0_i32, %c0_i32_0 : i32, i32
  }
  func.func @transform_9(%arg0: i32, %arg1: i32) -> (i32, i32, i32) {
    %c0_i32 = arith.constant 0 : i32
    %c0_i32_0 = arith.constant 0 : i32
    %c0_i32_1 = arith.constant 0 : i32
    %c0_i32_2 = arith.constant 0 : i32
    return %c0_i32, %c0_i32_0, %c0_i32_1 : i32, i32, i32
  }
  func.func @transform_10(%arg0: i32, %arg1: i32) -> (i32, i32) {
    %c0_i32 = arith.constant 0 : i32
    %c0_i32_0 = arith.constant 0 : i32
    %c0_i32_1 = arith.constant 0 : i32
    return %c0_i32, %c0_i32_0 : i32, i32
  }
  func.func @transform_11(%arg0: i32, %arg1: i32) -> (i32, i32, i32) {
    %c0_i32 = arith.constant 0 : i32
    %c0_i32_0 = arith.constant 0 : i32
    %c0_i32_1 = arith.constant 0 : i32
    %c0_i32_2 = arith.constant 0 : i32
    return %c0_i32, %c0_i32_0, %c0_i32_1 : i32, i32, i32
  }
  func.func @transform_12(%arg0: i32, %arg1: i32) -> (i32, i32, i32) {
    %c0_i32 = arith.constant 0 : i32
    %c0_i32_0 = arith.constant 0 : i32
    %c0_i32_1 = arith.constant 0 : i32
    %c0_i32_2 = arith.constant 0 : i32
    return %c0_i32, %c0_i32_0, %c0_i32_1 : i32, i32, i32
  }
  func.func @transform_13(%arg0: i32, %arg1: i32) -> (i32, i32) {
    %c0_i32 = arith.constant 0 : i32
    %c0_i32_0 = arith.constant 0 : i32
    %c0_i32_1 = arith.constant 0 : i32
    return %c0_i32, %c0_i32_0 : i32, i32
  }
  func.func @transform_14(%arg0: i32, %arg1: i32) -> (i32, i32, i32) {
    %c0_i32 = arith.constant 0 : i32
    %c0_i32_0 = arith.constant 0 : i32
    %c0_i32_1 = arith.constant 0 : i32
    %c0_i32_2 = arith.constant 0 : i32
    return %c0_i32, %c0_i32_0, %c0_i32_1 : i32, i32, i32
  }
  func.func @transform_15(%arg0: i32, %arg1: i32) -> (i32, i32) {
    %c0_i32 = arith.constant 0 : i32
    %c0_i32_0 = arith.constant 0 : i32
    %c0_i32_1 = arith.constant 0 : i32
    return %c0_i32, %c0_i32_0 : i32, i32
  }
  func.func @transform_16(%arg0: i32, %arg1: i32) -> (i32, i32) {
    %c0_i32 = arith.constant 0 : i32
    %c0_i32_0 = arith.constant 0 : i32
    %c0_i32_1 = arith.constant 0 : i32
    return %c0_i32, %c0_i32_0 : i32, i32
  }
  func.func @transform_17(%arg0: i32, %arg1: i32) -> i32 {
    %c0_i32 = arith.constant 0 : i32
    %c0_i32_0 = arith.constant 0 : i32
    return %c0_i32 : i32
  }
  func.func @transform_18(%arg0: i32, %arg1: i32) -> (i32, i32) {
    %c0_i32 = arith.constant 0 : i32
    %c0_i32_0 = arith.constant 0 : i32
    %c0_i32_1 = arith.constant 0 : i32
    return %c0_i32, %c0_i32_0 : i32, i32
  }
  func.func @transform_19(%arg0: i32, %arg1: i32) -> i32 {
    %c0_i32 = arith.constant 0 : i32
    %c0_i32_0 = arith.constant 0 : i32
    return %c0_i32 : i32
  }
  func.func @transform_20(%arg0: i32, %arg1: i32) -> (i32, i32) {
    %c0_i32 = arith.constant 0 : i32
    %c0_i32_0 = arith.constant 0 : i32
    %c0_i32_1 = arith.constant 0 : i32
    return %c0_i32, %c0_i32_0 : i32, i32
  }
  func.func @transform_21(%arg0: i32, %arg1: i32) -> (i32, i32) {
    %c0_i32 = arith.constant 0 : i32
    %c0_i32_0 = arith.constant 0 : i32
    %c0_i32_1 = arith.constant 0 : i32
    return %c0_i32, %c0_i32_0 : i32, i32
  }
  func.func @transform_22(%arg0: i32, %arg1: i32) -> i32 {
    %c0_i32 = arith.constant 0 : i32
    %c0_i32_0 = arith.constant 0 : i32
    return %c0_i32 : i32
  }
  func.func @transform_23(%arg0: i32, %arg1: i32) -> (i32, i32) {
    %c0_i32 = arith.constant 0 : i32
    %c0_i32_0 = arith.constant 0 : i32
    %c0_i32_1 = arith.constant 0 : i32
    return %c0_i32, %c0_i32_0 : i32, i32
  }
  func.func @transform_24(%arg0: i32, %arg1: i32) -> i32 {
    %c0_i32 = arith.constant 0 : i32
    %c0_i32_0 = arith.constant 0 : i32
    return %c0_i32 : i32
  }
  func.func @transform_25(%arg0: i32, %arg1: i32) -> (i32, i32) {
    %c0_i32 = arith.constant 0 : i32
    %c0_i32_0 = arith.constant 0 : i32
    %c0_i32_1 = arith.constant 0 : i32
    return %c0_i32, %c0_i32_0 : i32, i32
  }
  func.func @transform_26(%arg0: i32, %arg1: i32) -> i32 {
    %c0_i32 = arith.constant 0 : i32
    %c0_i32_0 = arith.constant 0 : i32
    return %c0_i32 : i32
  }
  func.func @transform_27(%arg0: i32, %arg1: i32) -> (i32, i32) {
    %c0_i32 = arith.constant 0 : i32
    %c0_i32_0 = arith.constant 0 : i32
    %c0_i32_1 = arith.constant 0 : i32
    return %c0_i32, %c0_i32_0 : i32, i32
  }
  func.func @transform_28(%arg0: i32, %arg1: i32) -> i32 {
    %c0_i32 = arith.constant 0 : i32
    %c0_i32_0 = arith.constant 0 : i32
    return %c0_i32 : i32
  }
  func.func @transform_29(%arg0: i32, %arg1: i32) -> (i32, i32) {
    %c0_i32 = arith.constant 0 : i32
    %c0_i32_0 = arith.constant 0 : i32
    %c0_i32_1 = arith.constant 0 : i32
    return %c0_i32, %c0_i32_0 : i32, i32
  }
  func.func @transform_30(%arg0: i32, %arg1: i32) -> i32 {
    %c0_i32 = arith.constant 0 : i32
    %c0_i32_0 = arith.constant 0 : i32
    return %c0_i32 : i32
  }
  func.func @transform_31(%arg0: i32, %arg1: i32) -> (i32, i32) {
    %c0_i32 = arith.constant 0 : i32
    %c0_i32_0 = arith.constant 0 : i32
    %c0_i32_1 = arith.constant 0 : i32
    return %c0_i32, %c0_i32_0 : i32, i32
  }
  func.func @transform_32(%arg0: i32, %arg1: i32) -> i32 {
    %c0_i32 = arith.constant 0 : i32
    %c0_i32_0 = arith.constant 0 : i32
    return %c0_i32 : i32
  }
  func.func @transform_33(%arg0: i32, %arg1: i32) -> (i32, i32) {
    %c0_i32 = arith.constant 0 : i32
    %c0_i32_0 = arith.constant 0 : i32
    %c0_i32_1 = arith.constant 0 : i32
    return %c0_i32, %c0_i32_0 : i32, i32
  }
  func.func @transform_34(%arg0: i32, %arg1: i32) -> i32 {
    %c0_i32 = arith.constant 0 : i32
    %c0_i32_0 = arith.constant 0 : i32
    return %c0_i32 : i32
  }
  func.func @transform_35(%arg0: i32, %arg1: i32) -> (i32, i32, i32) {
    %sub3A = arith.constant 1 : i32
    %sub3A_0 = arith.subi %arg1, %sub3A : i32
    %max3A = arith.constant 0 : i32
    %max3A_1 = arith.maxsi %sub3A_0, %max3A : i32
    %c0_i32 = arith.constant 0 : i32
    %c0_i32_2 = arith.constant 0 : i32
    %c0_i32_3 = arith.constant 0 : i32
    return %max3A_1, %c0_i32, %c0_i32_2 : i32, i32, i32
  }
  func.func @transform_36(%arg0: i32, %arg1: i32) -> (i32, i32, i32) {
    %sub3A = arith.constant 1 : i32
    %sub3A_0 = arith.subi %arg1, %sub3A : i32
    %max3A = arith.constant 0 : i32
    %max3A_1 = arith.maxsi %sub3A_0, %max3A : i32
    %c0_i32 = arith.constant 0 : i32
    %c0_i32_2 = arith.constant 0 : i32
    %c0_i32_3 = arith.constant 0 : i32
    return %max3A_1, %c0_i32, %c0_i32_2 : i32, i32, i32
  }
  func.func @transform_37(%arg0: i32, %arg1: i32) -> (i32, i32, i32) {
    %sub3A = arith.constant 1 : i32
    %sub3A_0 = arith.subi %arg1, %sub3A : i32
    %max3A = arith.constant 0 : i32
    %max3A_1 = arith.maxsi %sub3A_0, %max3A : i32
    %c0_i32 = arith.constant 0 : i32
    %c0_i32_2 = arith.constant 0 : i32
    %c0_i32_3 = arith.constant 0 : i32
    return %max3A_1, %c0_i32, %c0_i32_2 : i32, i32, i32
  }
  func.func @transform_38(%arg0: i32, %arg1: i32) -> (i32, i32, i32) {
    %sub3A = arith.constant 1 : i32
    %sub3A_0 = arith.subi %arg1, %sub3A : i32
    %max3A = arith.constant 0 : i32
    %max3A_1 = arith.maxsi %sub3A_0, %max3A : i32
    %c0_i32 = arith.constant 0 : i32
    %c0_i32_2 = arith.constant 0 : i32
    %c0_i32_3 = arith.constant 0 : i32
    return %max3A_1, %c0_i32, %c0_i32_2 : i32, i32, i32
  }
  func.func @transform_39(%arg0: i32, %arg1: i32) -> (i32, i32, i32) {
    %sub3A = arith.constant 1 : i32
    %sub3A_0 = arith.subi %arg1, %sub3A : i32
    %max3A = arith.constant 0 : i32
    %max3A_1 = arith.maxsi %sub3A_0, %max3A : i32
    %c0_i32 = arith.constant 0 : i32
    %c0_i32_2 = arith.constant 0 : i32
    %c0_i32_3 = arith.constant 0 : i32
    return %max3A_1, %c0_i32, %c0_i32_2 : i32, i32, i32
  }
  func.func @transform_40(%arg0: i32, %arg1: i32) -> (i32, i32, i32) {
    %sub3A = arith.constant 1 : i32
    %sub3A_0 = arith.subi %arg1, %sub3A : i32
    %max3A = arith.constant 0 : i32
    %max3A_1 = arith.maxsi %sub3A_0, %max3A : i32
    %c0_i32 = arith.constant 0 : i32
    %c0_i32_2 = arith.constant 0 : i32
    %c0_i32_3 = arith.constant 0 : i32
    return %max3A_1, %c0_i32, %c0_i32_2 : i32, i32, i32
  }
  func.func @transform_41(%arg0: i32, %arg1: i32) -> (i32, i32, i32) {
    %sub3A = arith.constant 1 : i32
    %sub3A_0 = arith.subi %arg1, %sub3A : i32
    %max3A = arith.constant 0 : i32
    %max3A_1 = arith.maxsi %sub3A_0, %max3A : i32
    %c0_i32 = arith.constant 0 : i32
    %c0_i32_2 = arith.constant 0 : i32
    %c0_i32_3 = arith.constant 0 : i32
    return %max3A_1, %c0_i32, %c0_i32_2 : i32, i32, i32
  }
  func.func @transform_42(%arg0: i32, %arg1: i32) -> (i32, i32, i32) {
    %sub3A = arith.constant 1 : i32
    %sub3A_0 = arith.subi %arg1, %sub3A : i32
    %max3A = arith.constant 0 : i32
    %max3A_1 = arith.maxsi %sub3A_0, %max3A : i32
    %c0_i32 = arith.constant 0 : i32
    %c0_i32_2 = arith.constant 0 : i32
    %c0_i32_3 = arith.constant 0 : i32
    return %max3A_1, %c0_i32, %c0_i32_2 : i32, i32, i32
  }
  func.func @transform_43(%arg0: i32, %arg1: i32) -> (i32, i32, i32) {
    %sub3A = arith.constant 1 : i32
    %sub3A_0 = arith.subi %arg1, %sub3A : i32
    %max3A = arith.constant 0 : i32
    %max3A_1 = arith.maxsi %sub3A_0, %max3A : i32
    %c0_i32 = arith.constant 0 : i32
    %c0_i32_2 = arith.constant 0 : i32
    %c0_i32_3 = arith.constant 0 : i32
    return %max3A_1, %c0_i32, %c0_i32_2 : i32, i32, i32
  }
  func.func @transform_44(%arg0: i32, %arg1: i32) -> (i32, i32, i32) {
    %sub3A = arith.constant 1 : i32
    %sub3A_0 = arith.subi %arg1, %sub3A : i32
    %max3A = arith.constant 0 : i32
    %max3A_1 = arith.maxsi %sub3A_0, %max3A : i32
    %c0_i32 = arith.constant 0 : i32
    %c0_i32_2 = arith.constant 0 : i32
    %c0_i32_3 = arith.constant 0 : i32
    return %max3A_1, %c0_i32, %c0_i32_2 : i32, i32, i32
  }
  func.func @transform_45(%arg0: i32, %arg1: i32) -> (i32, i32, i32) {
    %sub3A = arith.constant 1 : i32
    %sub3A_0 = arith.subi %arg1, %sub3A : i32
    %max3A = arith.constant 0 : i32
    %max3A_1 = arith.maxsi %sub3A_0, %max3A : i32
    %c0_i32 = arith.constant 0 : i32
    %c0_i32_2 = arith.constant 0 : i32
    %c0_i32_3 = arith.constant 0 : i32
    return %max3A_1, %c0_i32, %c0_i32_2 : i32, i32, i32
  }
  func.func @transform_46(%arg0: i32, %arg1: i32) -> (i32, i32, i32) {
    %sub3A = arith.constant 1 : i32
    %sub3A_0 = arith.subi %arg1, %sub3A : i32
    %max3A = arith.constant 0 : i32
    %max3A_1 = arith.maxsi %sub3A_0, %max3A : i32
    %c0_i32 = arith.constant 0 : i32
    %c0_i32_2 = arith.constant 0 : i32
    %c0_i32_3 = arith.constant 0 : i32
    return %max3A_1, %c0_i32, %c0_i32_2 : i32, i32, i32
  }
  func.func @transform_47(%arg0: i32, %arg1: i32) -> (i32, i32, i32) {
    %sub3A = arith.constant 1 : i32
    %sub3A_0 = arith.subi %arg1, %sub3A : i32
    %max3A = arith.constant 0 : i32
    %max3A_1 = arith.maxsi %sub3A_0, %max3A : i32
    %c0_i32 = arith.constant 0 : i32
    %c0_i32_2 = arith.constant 0 : i32
    %c0_i32_3 = arith.constant 0 : i32
    return %max3A_1, %c0_i32, %c0_i32_2 : i32, i32, i32
  }
  func.func @transform_48(%arg0: i32, %arg1: i32) -> (i32, i32, i32) {
    %sub3A = arith.constant 1 : i32
    %sub3A_0 = arith.subi %arg1, %sub3A : i32
    %max3A = arith.constant 0 : i32
    %max3A_1 = arith.maxsi %sub3A_0, %max3A : i32
    %c0_i32 = arith.constant 0 : i32
    %c0_i32_2 = arith.constant 0 : i32
    %c0_i32_3 = arith.constant 0 : i32
    return %max3A_1, %c0_i32, %c0_i32_2 : i32, i32, i32
  }
  func.func @transform_49(%arg0: i32, %arg1: i32) -> (i32, i32, i32) {
    %sub3A = arith.constant 1 : i32
    %sub3A_0 = arith.subi %arg1, %sub3A : i32
    %max3A = arith.constant 0 : i32
    %max3A_1 = arith.maxsi %sub3A_0, %max3A : i32
    %c0_i32 = arith.constant 0 : i32
    %c0_i32_2 = arith.constant 0 : i32
    %c0_i32_3 = arith.constant 0 : i32
    return %max3A_1, %c0_i32, %c0_i32_2 : i32, i32, i32
  }
  func.func @transform_50(%arg0: i32, %arg1: i32) -> (i32, i32, i32) {
    %sub3A = arith.constant 1 : i32
    %sub3A_0 = arith.subi %arg1, %sub3A : i32
    %max3A = arith.constant 0 : i32
    %max3A_1 = arith.maxsi %sub3A_0, %max3A : i32
    %c0_i32 = arith.constant 0 : i32
    %c0_i32_2 = arith.constant 0 : i32
    %c0_i32_3 = arith.constant 0 : i32
    return %max3A_1, %c0_i32, %c0_i32_2 : i32, i32, i32
  }
  func.func @transform_51(%arg0: i32, %arg1: i32) -> (i32, i32, i32) {
    %sub3A = arith.constant 1 : i32
    %sub3A_0 = arith.subi %arg1, %sub3A : i32
    %max3A = arith.constant 0 : i32
    %max3A_1 = arith.maxsi %sub3A_0, %max3A : i32
    %c0_i32 = arith.constant 0 : i32
    %c0_i32_2 = arith.constant 0 : i32
    %c0_i32_3 = arith.constant 0 : i32
    return %max3A_1, %c0_i32, %c0_i32_2 : i32, i32, i32
  }
  func.func @transform_52(%arg0: i32, %arg1: i32) -> (i32, i32, i32) {
    %sub3A = arith.constant 1 : i32
    %sub3A_0 = arith.subi %arg1, %sub3A : i32
    %max3A = arith.constant 0 : i32
    %max3A_1 = arith.maxsi %sub3A_0, %max3A : i32
    %c0_i32 = arith.constant 0 : i32
    %c0_i32_2 = arith.constant 0 : i32
    %c0_i32_3 = arith.constant 0 : i32
    return %max3A_1, %c0_i32, %c0_i32_2 : i32, i32, i32
  }
  func.func @transform_53(%arg0: i32, %arg1: i32) -> (i32, i32, i32) {
    %sub3A = arith.constant 1 : i32
    %sub3A_0 = arith.subi %arg1, %sub3A : i32
    %max3A = arith.constant 0 : i32
    %max3A_1 = arith.maxsi %sub3A_0, %max3A : i32
    %c0_i32 = arith.constant 0 : i32
    %c0_i32_2 = arith.constant 0 : i32
    %c0_i32_3 = arith.constant 0 : i32
    return %max3A_1, %c0_i32, %c0_i32_2 : i32, i32, i32
  }
  func.func @transform_54(%arg0: i32, %arg1: i32) -> (i32, i32, i32) {
    %sub3A = arith.constant 1 : i32
    %sub3A_0 = arith.subi %arg1, %sub3A : i32
    %max3A = arith.constant 0 : i32
    %max3A_1 = arith.maxsi %sub3A_0, %max3A : i32
    %c0_i32 = arith.constant 0 : i32
    %c0_i32_2 = arith.constant 0 : i32
    %c0_i32_3 = arith.constant 0 : i32
    return %max3A_1, %c0_i32, %c0_i32_2 : i32, i32, i32
  }
  func.func @transform_55(%arg0: i32, %arg1: i32) -> (i32, i32, i32) {
    %sub3A = arith.constant 1 : i32
    %sub3A_0 = arith.subi %arg1, %sub3A : i32
    %max3A = arith.constant 0 : i32
    %max3A_1 = arith.maxsi %sub3A_0, %max3A : i32
    %c0_i32 = arith.constant 0 : i32
    %c0_i32_2 = arith.constant 0 : i32
    %c0_i32_3 = arith.constant 0 : i32
    return %max3A_1, %c0_i32, %c0_i32_2 : i32, i32, i32
  }
  func.func @transform_56(%arg0: i32, %arg1: i32) -> (i32, i32, i32) {
    %sub3A = arith.constant 1 : i32
    %sub3A_0 = arith.subi %arg1, %sub3A : i32
    %max3A = arith.constant 0 : i32
    %max3A_1 = arith.maxsi %sub3A_0, %max3A : i32
    %c0_i32 = arith.constant 0 : i32
    %c0_i32_2 = arith.constant 0 : i32
    %c0_i32_3 = arith.constant 0 : i32
    return %max3A_1, %c0_i32, %c0_i32_2 : i32, i32, i32
  }
  func.func @transform_57(%arg0: i32, %arg1: i32) -> (i32, i32, i32) {
    %sub3A = arith.constant 1 : i32
    %sub3A_0 = arith.subi %arg1, %sub3A : i32
    %max3A = arith.constant 0 : i32
    %max3A_1 = arith.maxsi %sub3A_0, %max3A : i32
    %c0_i32 = arith.constant 0 : i32
    %c0_i32_2 = arith.constant 0 : i32
    %c0_i32_3 = arith.constant 0 : i32
    return %max3A_1, %c0_i32, %c0_i32_2 : i32, i32, i32
  }
  func.func @transform_58(%arg0: i32, %arg1: i32) -> (i32, i32, i32) {
    %c0_i32 = arith.constant 0 : i32
    %c0_i32_0 = arith.constant 0 : i32
    %c0_i32_1 = arith.constant 0 : i32
    return %arg0, %c0_i32, %c0_i32_0 : i32, i32, i32
  }
  func.func @transform_59(%arg0: i32, %arg1: i32) -> (i32, i32, i32) {
    %c0_i32 = arith.constant 0 : i32
    %c0_i32_0 = arith.constant 0 : i32
    %c0_i32_1 = arith.constant 0 : i32
    return %arg0, %c0_i32, %c0_i32_0 : i32, i32, i32
  }
  func.func @transform_60(%arg0: i32, %arg1: i32) -> (i32, i32, i32, i32, i32) {
    %c0_i32 = arith.constant 0 : i32
    %c0_i32_0 = arith.constant 0 : i32
    %c0_i32_1 = arith.constant 0 : i32
    %c0_i32_2 = arith.constant 0 : i32
    return %arg0, %arg1, %c0_i32, %c0_i32_0, %c0_i32_1 : i32, i32, i32, i32, i32
  }
}

</mosaic_0001>

<sc_bundles>
// kernel: sparse-core-data-format-call.cloned.1.call-start
scs
called_computation_lowered:
.L_overlay_start_0:
0x0: {  	s2 =	sld [smem:$0x3FD9]  }
0x1: {  	s3 =	sld [smem:$0x3FFE];
	_ =	sdelay $0x1  }
0x2: {  	s1 =	srdreg.scid  }
0x3: {  	s0 =	sand.u32 $0x1, s1  }
0x4: {  	s15 =	sshll.u32 s0, $0xA;
	s2 =	sadd.s32 s3, s2  }
0x5: {  	s2 =	sadd.s32 s2, s15  }
0x6: {  	[smem:$0x3ED7] =	sst s2  }
0x7: {  	_ = 	snop  }
0x8: {  	s2 =	sld [smem:$0x3FD0];
	_ =	sdelay $0x2  }
0x9: {  	s16 =	simm.s32 $0xA;
	s4 =	simm.s32 $0x10  }
0xa: {  	[smem:s4], [sflag:s16] =	dma.local [hbm:s2], $0x1  }
0xb: {  	_ =	swait.eq [sflag:s16], $0x1  }
0xc: {  	[sflag:s16] =	ssyncset.done $0x0  }
0xd: {  	[sflag:s16] =	ssyncadd.s32 $0xFFFFFFFF  }
0xe: {  	s17 =	sld [smem:$0x12];
	(tm) =	ssettm $0x1  }
0xf: {  	s18 =	sld [smem:$0x3FFB];
	_ =	sdelay $0x3  }
0x10: {  	_ =	strace s18  }
0x11: {  	s3 =	sld [smem:$0x3FFC];
	_ =	sdelay $0x3  }
0x12: {  	_ =	strace s3  }
0x13: {  	s3 =	sld [smem:$0x3FFD];
	_ =	sdelay $0x3  }
0x14: {  	_ =	strace s3  }
0x15: {  	_ =	strace $0x8FFFFFFF  }
0x16: {  	s19 =	sld [smem:$0x3FDB];
	_ =	sdelay $0x1  }
0x17: {  	s20 =	simm.s32 $_scs_section_size  }
0x18: {  	s5 =	simm.s32 $_size__tile_overlayer_lowered;
	s6 =	simm.s32 $_tile_overlayer_lowered  }
0x19: {  	s23 =	simm.s32 $0x1BFF;
	s22 =	sshll.u32 s6, $0x1;
	s3 =	sadd.s32 s20, s19  }
0x1a: {  	s7 =	simm.s32 $0x0;
	s21 =	sshll.u32 s5, $0x1;
	s5 =	sadd.s32 s22, s3  }
0x1b: {  	[timem:s7], [sflag:s23] =	dma.local [hbm:s5], s21  }
0x1c: {  	_ =	swait.ge [sflag:s23], s21  }
0x1d: {  	s4 =	ssub.s32 $0x0, s21;
	[sflag:s23] =	ssyncset.done $0x0  }
0x1e: {  	[sflag:s23] =	ssyncadd.s32 s4;
	_ =	sdelay $0x1  }
0x1f: {  	s24 =	simm.s32 $0x1B8B  }
0x20: {  	_ =	swait.ge [sflag:s24], $0x1  }
0x21: {  	[sflag:s24] =	ssyncset.done $0x0  }
0x22: {  	s26 =	simm.s32 $0x1B8E;
	s25 =	sld [smem:$0x3FFE];
	[sflag:s24] =	ssyncadd.s32 $0xFFFFFFFF  }
0x23: {  	s27 =	simm.s32 $execute0_lowered;
	[smem:$0x3FD2] =	sst s26  }
0x24: {  	s5 =	sshll.u32 s27, $0x1;
	_ =	strace $0x80000046;
	[dreg:$0x1] =	wrdreg $0xFFFFFFFF  }
0x25: {  	s28 =	simm.s32 $_size_execute0_lowered;
	s3 =	sadd.s32 s3, s5;
	[dreg:$0x0] =	wrdreg $0x0  }
0x26: {  	s5 =	sshll.u32 s28, $0x1;
	[dreg:$0x2] =	wrdreg s3  }
0x27: {  	[dreg:$0x3] =	wrdreg s5  }
0x28: {  	[dreg:$0x4] =	wrdreg $0xC0  }
0x29: {  	_ =	task [dreg:s7], $0x5FFFF  }
0x2a: {  	[dreg:$0x1] =	wrdreg $0xFFFFFFFF  }
0x2b: {  	[dreg:$0x0] =	wrdreg $0x60  }
0x2c: {  	[dreg:$0x2] =	wrdreg s25  }
0x2d: {  	[dreg:$0x3] =	wrdreg s17  }
0x2e: {  	[dreg:$0x4] =	wrdreg $0x9  }
0x2f: {  	_ =	task.clear_ibuf [dreg:s7], $0x5FFFF;
	_ =	strace $0x90000046  }
0x30: {  	s29 =	simm.s32 $0x9;
	_ =	strace $0x80000048  }
0x31: {  	_ =	swait.ge [sflag:s29], $0x1  }
0x32: {  	[sflag:s29] =	ssyncadd.s32 $0xFFFFFFFF  }
0x33: {  	_ =	strace $0x90000048  }
0x34: {  	_ =	sfence  }
0x35: {  	s30 =	sld [smem:$0x0];
	_ =	sdelay $0x2  }
0x36: {  	s31 =	sshll.u32 s1, $0xD;
	s1 =	sshrl.u32 s1, $0x2  }
0x37: {  	s3 =	sand.u32 $0x4000, s31;
	s1 =	sadd.s32 s1, s30  }
0x38: {  	s0 =	sor.u32 s3, s0;
	s1 =	sshll.u32 s1, $0x11  }
0x39: {  	s0 =	sor.u32 s1, s0  }
0x3a: {  	s0 =	sadd.s32 $0x8F2B, s0  }
0x3b: {  	[sflag:s0] =	ssyncadd.remote.s32 $0x1  }
0x3c: {  	_ =	sfence.sel $0xFFFF  }
0x3d: {  	[dreg:$0x0] =	wrdreg $0xFFFFFFFF;
	(pc) =	sbr.abs _section_cstart, $3  }
0x3e: {  	[dreg:$0x1] =	wrdreg $0xFFFFFFFF  }
0x3f: {  	_ =	task.clear_ibuf [dreg:s7], $0x2FFFF;
	_ =	strace $0x9FFFFFFF  }
0x40: {  	(tm) =	ssettm $0x7FFFFFFF  }
0x41: {  	_ =	shalt  }
tec
execute0_lowered:
.L_overlay_start_1:
0x0: {  	(tag) =	ssettag $0x1  }
0x1: {  	s0 =	stileid.u32;
	s5 =	rddreg [dreg:$0x0]  }
0x2: {  	s1 =	srdreg.scid;
	s3 =	rddreg [dreg:$0x1];
	s6 =	simm.s32 $0x1  }
0x3: {  	s8 =	simm.s32 $0x2;
	s2 =	sshll.u32 s0, $0x1;
	s1 =	sshll.u32 s1, $0x5  }
0x4: {  	s17 =	simm.s32 $0x0;
	s9 =	simm.s32 $0x800;
	s1 =	sor.u32 s2, s1  }
0x5: {  	s10 =	simm.s32 $0xD800;
	s11 =	simm.s32 $0x0;
	s2 =	sand.u32 $0x38, s1  }
0x6: {  	s18 =	simm.s32 $0x0;
	s19 =	simm.s32 $0x0;
	s4 =	ssub.s32 $0x40, s2  }
0x7: {  	s20 =	simm.s32 $0x0;
	s12 =	simm.s32 $0x0;
	s31 =	sand.u32 $0x38, s4  }
0x8: {  	s14 =	simm.s32 $0x0;
	s7 =	sand.u32 $0x3, s0;
	p0 =	sne.s32 s31, $0x0  }
.Ltmp0:
0x9: {  	s4 =	sshrl.u32 s4, $0x6;
	s6 =	simm.s32 @!p0 $0x0;
	(pc) =	sbr.rel .LBB1_1-.Ltmp0, $4  }
0xa: {  	s1 =	rddreg [dreg:$0x2];
	_ =	strace $0x80000047;
	s6 =	sadd.s32 s6, s4  }
0xb: {  	s4 =	sadd.s32 $0x10C00, s5;
	s5 =	simm.s32 $0x1;
	s6 =	smul.u32 $0x1B, s6  }
0xc: {  	s16 =	simm.s32 $0x0;
	s15 =	smov.u32 s7;
	[sflag:s5] =	ssyncpa.u1 $0x0  }
0xd: {  	s13 =	smov.u32 s2;
	[sflag:s8] =	ssyncpa.u1 $0x0;
	s8 =	sadd.s32 $0x1, s6  }
.LBB1_7:
0xe: {  	s21 =	sadd.s32 $0x10, s12  }
0xf: {  	s17 =	sadd.s32 $0x40, s13;
	s22 =	smov.u32 s13;
	p1 =	sgt.s32 s21, $0x2F  }
0x10: {  	s22 =	smov.u32 @p1 s17  }
0x11: {  	s17 =	simm.s32 $0x1;
	p2 =	sgt.s32 s22, $0x3F  }
0x12: {  	s17 =	simm.s32 @!p2 $0x0  }
0x13: {  	s23 =	sadd.s32 s17, s14  }
0x14: {  	s24 =	smov.u32 s15;
	s17 =	sadd.s32 $0x4, s15;
	p3 =	sgt.s32 s23, $0x8  }
0x15: {  	p0 =	slt.u32 s16, $0x2;
	s24 =	smov.u32 @p3 s17  }
0x16: {  	s18 =	smov.u32 s13;
	s21 =	simm.s32 @p1 $0x0;
	p1 =	sgt.s32 s24, $0x3  }
0x17: {  	s25 =	simm.s32 @!p0 $0x2;
	s24 =	smov.u32 @p1 s7;
	p1 =	sne.s32 s16, s8  }
.Ltmp1:
0x18: {  	s19 =	smov.u32 s14;
	_ =	swait.ge @!p0 [sflag:s25], $0x4000;
	(pc) =	sbr.rel @!p1 .LBB1_8-.Ltmp1, $4  }
0x19: {  	s20 =	smov.u32 s15;
	[sflag:s25] =	ssyncset.done @!p0 $0x0;
	s22 =	smov.u32 @p2 s2  }
0x1a: {  	s11 =	sadd.s32 $0x4000, s11;
	[sflag:s25] =	ssyncadd.s32 @!p0 $0xFFFFC000;
	s13 =	smov.u32 s22  }
0x1b: {  	s23 =	simm.s32 @p3 $0x0;
	s17 =	smov.u32 s12;
	s12 =	smov.u32 s21  }
0x1c: {  	s14 =	smov.u32 s23;
	s16 =	sadd.s32 $0x1, s16;
	s15 =	smov.u32 s24  }
.LBB1_1:
0x1d: {  	p0 =	sge.u32 s16, s6  }
0x1e: {  	s21 =	sand.u32 @!p0 $0x1FFFFFF, s12;
	s23 =	smul.u32 @!p0 $0x6C000, s15  }
0x1f: {  	s22 =	smulhi.u32 @!p0 $0x5555556, s21  }
0x20: {  	s24 =	smul.u32 @!p0 $0xC000, s14  }
0x21: {  	s31 =	sadd.s32 $0xFFFFFFFF, s16;
	s22 =	smul.u32 @!p0 $0x30, s22  }
0x22: {  	s25 =	sxor.u32 @!p0 $0xFFFFFFFF, s16;
	s26 =	smul.u32 @!p0 $0x300, s13;
	s23 =	sadd.s32 @!p0 s4, s23  }
0x23: {  	s23 =	sadd.s32 @!p0 s24, s23;
	s24 =	simm.s32 @!p0 $0x1800;
	s21 =	ssub.s32 @!p0 s21, s22  }
0x24: {  	s23 =	sadd.s32 @!p0 s26, s23;
	s22 =	sshll.u32 @!p0 s25, $0xE;
	s21 =	sshll.u32 @!p0 s21, $0x4  }
0x25: {  	s22 =	sand.u32 @!p0 $0x4000, s22;
	s21 =	sadd.s32 @!p0 s21, s23;
	s23 =	simm.s32 @!p0 $0x800  }
0x26: {  	[tilespmem:s22], [sflag:$0x1] =	stream.strided.gather @!p0 [hbm4b:s21+s23], $0x4000, s24, s23, $0x38;
	[tilespmem:$0x10000] =	vst v63  }
0x27: {  	p0 =	sge.u32 s31, s6  }
.Ltmp2:
0x28: {  	_ = 	snop;
	(pc) =	sbr.rel @p0 .LBB1_7-.Ltmp2, $1  }
0x29: {  	_ =	sdelay $0x3  }
0x2a: {  	s21 =	sand.u32 $0x4000, s11  }
0x2b: {  	_ =	swait.ge [sflag:s5], $0x4000;
	s24 =	sshll.u32 s16, $0xE;
	s22 =	sor.u32 $0x8040, s21  }
0x2c: {  	s23 =	sor.u32 $0x40, s21;
	[sflag:s5] =	ssyncset.done $0x0;
	s31 =	sand.u32 $0x4000, s24  }
0x2d: {  	s24 =	simm.s32 $0x0;
	[sflag:s5] =	ssyncadd.s32 $0xFFFFC000;
	s21 =	sor.u32 $0x8000, s31  }
.LBB1_3:
0x2e: {  	v1 =	vmov s23;
	_ =	sdelay $0x3  }
0x2f: {  	s25 =	simm.s32 $0x0  }
0x30: {  	v7 =	vld.idx.msk [tilespmem:v1+s25+$0x30 ss:$0x1], $0xffff  }
0x31: {  	v0 =	vmov s22;
	v8 =	vld.idx.msk [tilespmem:v1+s25+$0xFFFFFFC0 ss:$0x1], $0xffff  }
0x32: {  	v6 =	vld.idx.msk [tilespmem:v1+s25+$0xFFFFFFD0 ss:$0x1], $0xffff  }
0x33: {  	v5 =	vld.idx.msk [tilespmem:v1+s25+$0xFFFFFFE0 ss:$0x1], $0xffff  }
0x34: {  	v4 =	vld.idx.msk [tilespmem:v1+s25+$0xFFFFFFF0 ss:$0x1], $0xffff  }
0x35: {  	v2 =	vld.idx.msk [tilespmem:v1+s25+$0x0 ss:$0x1], $0xffff  }
0x36: {  	v3 =	vld.idx.msk [tilespmem:v1+s25+$0x10 ss:$0x1], $0xffff;
	[tilespmem:v0+s25+$0x30 ss:$0x1] =	vst.idx.msk $0xffff, v7  }
0x37: {  	s26 =	simm.s32 $0x80;
	s27 =	simm.s32 $0x400;
	[tilespmem:v0+s25+$0xFFFFFFC0 ss:$0x1] =	vst.idx.msk $0xffff, v8;
	v7 =	vld.idx.msk [tilespmem:v1+s25+$0x20 ss:$0x1], $0xffff  }
.LBB1_4:
0x38: {  	p0 =	sne.s32 s27, $0x1E00;
	v8 =	vld.idx.msk [tilespmem:v1+s26+$0x30 ss:$0x1], $0xffff;
	[tilespmem:v0+s25+$0xFFFFFFD0 ss:$0x1] =	vst.idx.msk $0xffff, v6  }
0x39: {  	v9 =	vld.idx.msk [tilespmem:v1+s26+$0xFFFFFFC0 ss:$0x1], $0xffff;
	[tilespmem:v0+s25+$0xFFFFFFE0 ss:$0x1] =	vst.idx.msk $0xffff, v5  }
0x3a: {  	v6 =	vld.idx.msk [tilespmem:v1+s26+$0xFFFFFFD0 ss:$0x1], $0xffff;
	[tilespmem:v0+s25+$0xFFFFFFF0 ss:$0x1] =	vst.idx.msk $0xffff, v4  }
.Ltmp3:
0x3b: {  	v5 =	vld.idx.msk [tilespmem:v1+s26+$0xFFFFFFE0 ss:$0x1], $0xffff;
	[tilespmem:v0+s25+$0x0 ss:$0x1] =	vst.idx.msk $0xffff, v2;
	(pc) =	sbr.rel @p0 .LBB1_4-.Ltmp3, $4  }
0x3c: {  	v4 =	vld.idx.msk [tilespmem:v1+s26+$0xFFFFFFF0 ss:$0x1], $0xffff;
	[tilespmem:v0+s25+$0x10 ss:$0x1] =	vst.idx.msk $0xffff, v3  }
0x3d: {  	v2 =	vld.idx.msk [tilespmem:v1+s26+$0x0 ss:$0x1], $0xffff;
	[tilespmem:v0+s25+$0x20 ss:$0x1] =	vst.idx.msk $0xffff, v7;
	s25 =	smov.u32 s26  }
0x3e: {  	v3 =	vld.idx.msk [tilespmem:v1+s25+$0x10 ss:$0x1], $0xffff;
	[tilespmem:v0+s25+$0x30 ss:$0x1] =	vst.idx.msk $0xffff, v8  }
0x3f: {  	s26 =	sshra.s32 s27, $0x2;
	s27 =	sadd.s32 $0x200, s27;
	[tilespmem:v0+s25+$0xFFFFFFC0 ss:$0x1] =	vst.idx.msk $0xffff, v9;
	v7 =	vld.idx.msk [tilespmem:v1+s25+$0x20 ss:$0x1], $0xffff  }
0x40: {  	_ =	sdelay $0x3  }
0x41: {  	[tilespmem:v0+s25+$0xFFFFFFD0 ss:$0x1] =	vst.idx.msk $0xffff, v6  }
0x42: {  	v56 =	vld.idx.msk [tilespmem:v1+s26+$0x30 ss:$0x1], $0xffff;
	[tilespmem:v0+s25+$0xFFFFFFE0 ss:$0x1] =	vst.idx.msk $0xffff, v5  }
0x43: {  	v57 =	vld.idx.msk [tilespmem:v1+s26+$0xFFFFFFC0 ss:$0x1], $0xffff;
	[tilespmem:v0+s25+$0xFFFFFFF0 ss:$0x1] =	vst.idx.msk $0xffff, v4  }
0x44: {  	v58 =	vld.idx.msk [tilespmem:v1+s26+$0xFFFFFFD0 ss:$0x1], $0xffff;
	[tilespmem:v0+s25+$0x0 ss:$0x1] =	vst.idx.msk $0xffff, v2  }
0x45: {  	v59 =	vld.idx.msk [tilespmem:v1+s26+$0xFFFFFFE0 ss:$0x1], $0xffff;
	[tilespmem:v0+s25+$0x10 ss:$0x1] =	vst.idx.msk $0xffff, v3  }
0x46: {  	v60 =	vld.idx.msk [tilespmem:v1+s26+$0xFFFFFFF0 ss:$0x1], $0xffff;
	[tilespmem:v0+s25+$0x20 ss:$0x1] =	vst.idx.msk $0xffff, v7  }
0x47: {  	v61 =	vld.idx.msk [tilespmem:v1+s26+$0x0 ss:$0x1], $0xffff;
	[tilespmem:v0+s26+$0x30 ss:$0x1] =	vst.idx.msk $0xffff, v56  }
0x48: {  	v62 =	vld.idx.msk [tilespmem:v1+s26+$0x10 ss:$0x1], $0xffff;
	s24 =	sadd.s32 $0x1, s24;
	[tilespmem:v0+s26+$0xFFFFFFC0 ss:$0x1] =	vst.idx.msk $0xffff, v57  }
0x49: {  	v63 =	vld.idx.msk [tilespmem:v1+s26+$0x20 ss:$0x1], $0xffff;
	p0 =	sne.s32 s24, $0x8;
	[tilespmem:v0+s26+$0xFFFFFFD0 ss:$0x1] =	vst.idx.msk $0xffff, v58  }
.Ltmp4:
0x4a: {  	[tilespmem:v0+s26+$0xFFFFFFE0 ss:$0x1] =	vst.idx.msk $0xffff, v59;
	(pc) =	sbr.rel @p0 .LBB1_3-.Ltmp4, $4  }
0x4b: {  	[tilespmem:v0+s26+$0xFFFFFFF0 ss:$0x1] =	vst.idx.msk $0xffff, v60  }
0x4c: {  	[tilespmem:v0+s26+$0x0 ss:$0x1] =	vst.idx.msk $0xffff, v61  }
0x4d: {  	[tilespmem:v0+s26+$0x10 ss:$0x1] =	vst.idx.msk $0xffff, v62  }
0x4e: {  	s22 =	sadd.s32 $0x800, s22;
	s23 =	sadd.s32 $0x800, s23;
	[tilespmem:v0+s26+$0x20 ss:$0x1] =	vst.idx.msk $0xffff, v63  }
0x4f: {  	s20 =	smul.u32 $0x6C000, s20  }
0x50: {  	s17 =	sand.u32 $0x1FFFFFF, s17;
	s19 =	smul.u32 $0x300, s19  }
0x51: {  	s22 =	smulhi.u32 $0x5555556, s17  }
0x52: {  	s18 =	smul.u32 $0x1B00, s18  }
0x53: {  	s22 =	smul.u32 $0x30, s22  }
.Ltmp5:
0x54: {  	s20 =	sadd.s32 s3, s20;
	(pc) =	sbr.rel .LBB1_7-.Ltmp5, $4  }
0x55: {  	s19 =	sadd.s32 s19, s20;
	s17 =	ssub.s32 s17, s22  }
0x56: {  	s18 =	sadd.s32 s18, s19;
	s17 =	sshll.u32 s17, $0x4  }
0x57: {  	s17 =	sadd.s32 s17, s18  }
0x58: {  	[hbm4b:s17+s9] =	stream.strided.scatter [tilespmem:s21], [sflag:$0x2], $0x4000, s10, s9, $0x38;
	[tilespmem:$0x10000] =	vst v63  }
.LBB1_8:
0x59: {  	_ =	sfence.sel $0x180000  }
0x5a: {  	s2 =	simm.s32 $0x1;
	[bflag:$0x0] =	sbarrier.arrive $0xFFFF  }
0x5b: {  	s31 =	simm.s32 $0x2;
	[sflag:s2] =	ssyncpa.u1 $0x1  }
0x5c: {  	[sflag:s31] =	ssyncpa.u1 $0x1  }
0x5d: {  	p0 =	sne.s32 s0, $0x0;
	_ =	strace $0x90000047  }
0x5e: {  	s0 =	sadd.s32 @!p0 $0x100000, s1;
	[bflag:$0x2] =	sbarrier.arrive $0xFFFF  }
0x5f: {  	[sflag:s0] =	ssyncadd.tile.s32 @!p0 $0x1;
	_ =	shalt  }
.Lfunc_end1:
_tile_overlayer_lowered:
.L_overlay_start_2:
0x60: {  	(tag) =	ssettag $0x2  }
0x61: {  	s0 =	rddreg [dreg:$0x0];
	s2 =	stileid.u32  }
0x62: {  	s1 =	rddreg [dreg:$0x1];
	p0 =	sne.s32 s2, $0x0  }
0x63: {  	s3 =	rddreg [dreg:$0x2];
	[bflag:$0x3] =	sbarrier.arrive $0xFFFF;
	s2 =	simm.s32 @!p0 $0x1C01  }
0x64: {  	[timem:s3], [sflag:s2] =	dma.local @!p0 [hbm:s0], s1  }
0x65: {  	s0 =	simm.s32 @!p0 $0x1  }
0x66: {  	_ =	swait.ge @!p0 [sflag:s0], s1  }
0x67: {  	s1 =	ssub.s32 @!p0 $0x0, s1;
	[sflag:s0] =	ssyncset.done @!p0 $0x0  }
0x68: {  	[sflag:s0] =	ssyncadd.s32 @!p0 s1  }
0x69: {  	[bflag:$0x3] =	sbarrier.arrive $0xFFFF  }
0x6a: {  	_ =	shalt  }

</sc_bundles>
